<compile_context>
chip_gen: v7x
topology: tpu7x:2x2x1
jax: 0.10.2.dev20260603
libtpu: 0.0.44.dev20260713+nightly
codegen_flags: <defaults>
</compile_context>

<pallas_src>
import functools

import jax
import jax.numpy as jnp
from jax import lax
from jax.experimental import pallas as pl
from jax.experimental.pallas import tpu as pltpu
from jax.experimental.pallas import tpu_sc as plsc

_B = 32768
_D = 2048
_E = 64
_BLK = 1024

_INFO = plsc.get_sparse_core_info()
_NW = _INFO.num_cores * _INFO.num_subcores
_TPW = _B // _NW


def _router_body(rv_ref, emb_ref, scores_t_ref, w_ref):
    @pl.when(pl.program_id(0) == 0)
    def _prep():
        emb = emb_ref[...]
        norms = jnp.clip(jnp.sqrt(jnp.sum(emb * emb, axis=1, keepdims=True)), 1e-12)
        w_ref[...] = emb / norms

    scores_t_ref[...] = jax.lax.dot_general(
        w_ref[...], rv_ref[...],
        dimension_numbers=(((1,), (1,)), ((), ())),
        preferred_element_type=jnp.float32,
    )


def _scores_t(route_vec, expert_embeddings):
    return pl.pallas_call(
        _router_body,
        grid=(_B // _BLK,),
        in_specs=[
            pl.BlockSpec((_BLK, _D), lambda i: (i, 0)),
            pl.BlockSpec((_E, _D), lambda i: (0, 0)),
        ],
        out_specs=pl.BlockSpec((_E, _BLK), lambda i: (0, i)),
        out_shape=jax.ShapeDtypeStruct((_E, _B), jnp.float32),
        scratch_shapes=[pltpu.VMEM((_E, _D), jnp.float32)],
        compiler_params=pltpu.CompilerParams(
            dimension_semantics=("arbitrary",),
        ),
    )(route_vec, expert_embeddings)


@functools.partial(
    pl.kernel,
    mesh=plsc.VectorSubcoreMesh(core_axis_name="c", subcore_axis_name="s"),
    out_type=jax.ShapeDtypeStruct((_B,), jnp.int32),
    scratch_types=[
        pltpu.VMEM((_E, _TPW), jnp.float32),
        pltpu.VMEM((_TPW,), jnp.int32),
    ],
)
def _sc_argmax(scores_hbm, out_hbm, sc_v, idx_v):
    wid = lax.axis_index("s") * _INFO.num_cores + lax.axis_index("c")
    base = wid * _TPW
    pltpu.sync_copy(scores_hbm.at[:, pl.ds(base, _TPW)], sc_v)

    def body(g, carry):
        t0 = g * 16
        m = sc_v[0, pl.ds(t0, 16)]
        bi = jnp.zeros((16,), jnp.int32)
        for e in range(1, _E):
            v = sc_v[e, pl.ds(t0, 16)]
            cmp = v > m
            m = jnp.where(cmp, v, m)
            bi = jnp.where(cmp, jnp.full((16,), e, jnp.int32), bi)
        idx_v[pl.ds(t0, 16)] = bi
        return carry

    lax.fori_loop(0, _TPW // 16, body, 0)
    pltpu.sync_copy(idx_v, out_hbm.at[pl.ds(base, _TPW)])


def kernel(route_vec, expert_embeddings):
    scores_t = _scores_t(route_vec, expert_embeddings)
    idx = _sc_argmax(scores_t)
    return (idx, scores_t.T)

# --- scband reference (transcript-rebuilt; emitter-appended) ---
"""Pipeline reference for scband-expert-registry-56959856280116 (READ-ONLY COPY).

The authoritative reference and input builder live on the scoring server;
editing this copy changes nothing except your own understanding.
"""

import jax, jax.numpy as jnp
import numpy as np

B = 32768
ROUTE_DIM = 2048
NUM_EXPERTS = 64


def setup_inputs(seed: int = 0) -> dict:
    key = jax.random.key(seed)
    k1, k2 = jax.random.split(key)
    route_vec = jax.random.normal(k1, (B, ROUTE_DIM), dtype=jnp.float32)
    # callers pass L2-normalized routing vectors
    route_vec = route_vec / jnp.clip(jnp.linalg.norm(route_vec, axis=-1, keepdims=True), 1e-12)
    # learned per-expert embedding rows (nn.Parameter rows concatenated)
    expert_embeddings = jax.random.normal(k2, (NUM_EXPERTS, ROUTE_DIM), dtype=jnp.float32)
    expert_embeddings = expert_embeddings / jnp.clip(jnp.linalg.norm(expert_embeddings, axis=-1, keepdims=True), 1e-12)
    return {"route_vec": route_vec, "expert_embeddings": expert_embeddings}


def reference(route_vec, expert_embeddings):
    # compare(): F.normalize(expert_embeddings, dim=-1) then route_vec @ normed.T
    norms = jnp.clip(jnp.linalg.norm(expert_embeddings, axis=-1, keepdims=True), 1e-12)
    normed = expert_embeddings / norms
    scores = route_vec @ normed.T            # [B, N]
    # select(): hard argmax over experts (names are a python-side lookup of these indices)
    expert_indices = jnp.argmax(scores, axis=-1)  # [B]
    return (expert_indices, scores)

if __name__ == "__main__":
    import jax
    _d = setup_inputs()
    print(jax.jit(kernel)(*tuple(_d.values())))

</pallas_src>

<mosaic_0001>
#map = affine_map<(d0, d1) -> (0, 0)>
#map1 = affine_map<(d0, d1) -> (0)>
module attributes {stable_mosaic.version = 14 : i64} {
  func.func @_sc_argmax(%arg0: i32, %arg1: i32, %arg2: memref<64x32768xf32, #tpu.memory_space<hbm>>, %arg3: memref<32768xi32, #tpu.memory_space<hbm>>, %arg4: memref<64x1024xf32, #tpu.memory_space<vmem>>, %arg5: memref<1024xi32, #tpu.memory_space<vmem>>) attributes {dimension_semantics = [#tpu.dimension_semantics<core_parallel>, #tpu.dimension_semantics<subcore_parallel>], iteration_bounds = array<i64: 2, 16>, scalar_prefetch = 0 : i64, scratch_operands = 2 : i64, tpu.core_type = #tpu.core_type<sc_vector_subcore>, window_params = [{transform_indices = #map}, {transform_indices = #map1}]} {
    %mul3A = arith.constant 2 : i32
    %mul3A_0 = arith.muli %arg1, %mul3A : i32
    %add3A = arith.addi %mul3A_0, %arg0 : i32
    %mul3A_1 = arith.constant 1024 : i32
    %mul3A_2 = arith.muli %add3A, %mul3A_1 : i32
    "tpu.region"() ({
      %run_scoped3A = tpu.sem_alloc : memref<!tpu.dma_semaphore, #tpu.memory_space<semaphore_mem>>
      %dma_start3A = arith.constant 0 : i32
      %dma_start3A_8 = tpu.memref_slice %arg2[%dma_start3A, %mul3A_2] : memref<64x32768xf32, #tpu.memory_space<hbm>> -> memref<64x1024xf32, #tpu.memory_space<hbm>>
      %dma_start3A_9 = arith.constant 0 : i32
      %dma_start3A_10 = tpu.memref_slice %arg2[%dma_start3A_9, %mul3A_2] : memref<64x32768xf32, #tpu.memory_space<hbm>> -> memref<64x1024xf32, #tpu.memory_space<hbm>>
      tpu.enqueue_dma source(%dma_start3A_10 : memref<64x1024xf32, #tpu.memory_space<hbm>>) target(%arg4 : memref<64x1024xf32, #tpu.memory_space<vmem>>) target_semaphore(%run_scoped3A : memref<!tpu.dma_semaphore, #tpu.memory_space<semaphore_mem>>)
      %dma_wait3A = arith.constant 0 : i32
      %dma_wait3A_11 = tpu.memref_slice %arg2[%dma_wait3A, %mul3A_2] : memref<64x32768xf32, #tpu.memory_space<hbm>> -> memref<64x1024xf32, #tpu.memory_space<hbm>>
      %dma_wait3A_12 = arith.constant 0 : i32
      %dma_wait3A_13 = tpu.memref_slice %arg2[%dma_wait3A_12, %mul3A_2] : memref<64x32768xf32, #tpu.memory_space<hbm>> -> memref<64x1024xf32, #tpu.memory_space<hbm>>
      tpu.wait_dma2 semaphore(%run_scoped3A : memref<!tpu.dma_semaphore, #tpu.memory_space<semaphore_mem>>) src(%dma_wait3A_13 : memref<64x1024xf32, #tpu.memory_space<hbm>>) dst(%arg4 : memref<64x1024xf32, #tpu.memory_space<vmem>>)
      tpu.yield
    }) : () -> ()
    %scan3A = arith.constant 0 : i32
    %scan3A_3 = arith.constant 0 : i32
    %scan3A_4 = arith.constant 64 : i32
    %scan3A_5 = arith.addi %scan3A_3, %scan3A_4 : i32
    %scan3A_6 = arith.constant 1 : i32
    scf.for %scan3A_8 = %scan3A_3 to %scan3A_5 step %scan3A_6  : i32 {
      %mul3A_9 = arith.constant 16 : i32
      %mul3A_10 = arith.muli %scan3A_8, %mul3A_9 : i32
      %get3A = arith.constant 0 : i32
      %get3A_11 = arith.index_cast %get3A : i32 to index
      %get3A_12 = arith.index_cast %mul3A_10 : i32 to index
      %get3A_13 = tpu.vector_load %arg4[%get3A_11, %get3A_12] {strides = array<i32>} : memref<64x1024xf32, #tpu.memory_space<vmem>>, vector<1x16xf32>,
      %get3A_14 = vector.shape_cast %get3A_13 : vector<1x16xf32> to vector<16xf32>
      %broadcast_in_dim3A = arith.constant 0 : i32
      %broadcast_in_dim3A_15 = vector.broadcast %broadcast_in_dim3A : i32 to vector<16xi32>
      %get3A_16 = arith.constant 1 : i32
      %get3A_17 = arith.index_cast %get3A_16 : i32 to index
      %get3A_18 = arith.index_cast %mul3A_10 : i32 to index
      %get3A_19 = tpu.vector_load %arg4[%get3A_17, %get3A_18] {strides = array<i32>} : memref<64x1024xf32, #tpu.memory_space<vmem>>, vector<1x16xf32>,
      %get3A_20 = vector.shape_cast %get3A_19 : vector<1x16xf32> to vector<16xf32>
      %gt3A = arith.cmpf ogt, %get3A_20, %get3A_14 : vector<16xf32>
      %select_n3A = arith.select %gt3A, %get3A_20, %get3A_14 : vector<16xi1>, vector<16xf32>
      %broadcast_in_dim3A_21 = arith.constant 1 : i32
      %broadcast_in_dim3A_22 = vector.broadcast %broadcast_in_dim3A_21 : i32 to vector<16xi32>
      %select_n3A_23 = arith.select %gt3A, %broadcast_in_dim3A_22, %broadcast_in_dim3A_15 : vector<16xi1>, vector<16xi32>
      %get3A_24 = arith.constant 2 : i32
      %get3A_25 = arith.index_cast %get3A_24 : i32 to index
      %get3A_26 = arith.index_cast %mul3A_10 : i32 to index
      %get3A_27 = tpu.vector_load %arg4[%get3A_25, %get3A_26] {strides = array<i32>} : memref<64x1024xf32, #tpu.memory_space<vmem>>, vector<1x16xf32>,
      %get3A_28 = vector.shape_cast %get3A_27 : vector<1x16xf32> to vector<16xf32>
      %gt3A_29 = arith.cmpf ogt, %get3A_28, %select_n3A : vector<16xf32>
      %select_n3A_30 = arith.select %gt3A_29, %get3A_28, %select_n3A : vector<16xi1>, vector<16xf32>
      %broadcast_in_dim3A_31 = arith.constant 2 : i32
      %broadcast_in_dim3A_32 = vector.broadcast %broadcast_in_dim3A_31 : i32 to vector<16xi32>
      %select_n3A_33 = arith.select %gt3A_29, %broadcast_in_dim3A_32, %select_n3A_23 : vector<16xi1>, vector<16xi32>
      %get3A_34 = arith.constant 3 : i32
      %get3A_35 = arith.index_cast %get3A_34 : i32 to index
      %get3A_36 = arith.index_cast %mul3A_10 : i32 to index
      %get3A_37 = tpu.vector_load %arg4[%get3A_35, %get3A_36] {strides = array<i32>} : memref<64x1024xf32, #tpu.memory_space<vmem>>, vector<1x16xf32>,
      %get3A_38 = vector.shape_cast %get3A_37 : vector<1x16xf32> to vector<16xf32>
      %gt3A_39 = arith.cmpf ogt, %get3A_38, %select_n3A_30 : vector<16xf32>
      %select_n3A_40 = arith.select %gt3A_39, %get3A_38, %select_n3A_30 : vector<16xi1>, vector<16xf32>
      %broadcast_in_dim3A_41 = arith.constant 3 : i32
      %broadcast_in_dim3A_42 = vector.broadcast %broadcast_in_dim3A_41 : i32 to vector<16xi32>
      %select_n3A_43 = arith.select %gt3A_39, %broadcast_in_dim3A_42, %select_n3A_33 : vector<16xi1>, vector<16xi32>
      %get3A_44 = arith.constant 4 : i32
      %get3A_45 = arith.index_cast %get3A_44 : i32 to index
      %get3A_46 = arith.index_cast %mul3A_10 : i32 to index
      %get3A_47 = tpu.vector_load %arg4[%get3A_45, %get3A_46] {strides = array<i32>} : memref<64x1024xf32, #tpu.memory_space<vmem>>, vector<1x16xf32>,
      %get3A_48 = vector.shape_cast %get3A_47 : vector<1x16xf32> to vector<16xf32>
      %gt3A_49 = arith.cmpf ogt, %get3A_48, %select_n3A_40 : vector<16xf32>
      %select_n3A_50 = arith.select %gt3A_49, %get3A_48, %select_n3A_40 : vector<16xi1>, vector<16xf32>
      %broadcast_in_dim3A_51 = arith.constant 4 : i32
      %broadcast_in_dim3A_52 = vector.broadcast %broadcast_in_dim3A_51 : i32 to vector<16xi32>
      %select_n3A_53 = arith.select %gt3A_49, %broadcast_in_dim3A_52, %select_n3A_43 : vector<16xi1>, vector<16xi32>
      %get3A_54 = arith.constant 5 : i32
      %get3A_55 = arith.index_cast %get3A_54 : i32 to index
      %get3A_56 = arith.index_cast %mul3A_10 : i32 to index
      %get3A_57 = tpu.vector_load %arg4[%get3A_55, %get3A_56] {strides = array<i32>} : memref<64x1024xf32, #tpu.memory_space<vmem>>, vector<1x16xf32>,
      %get3A_58 = vector.shape_cast %get3A_57 : vector<1x16xf32> to vector<16xf32>
      %gt3A_59 = arith.cmpf ogt, %get3A_58, %select_n3A_50 : vector<16xf32>
      %select_n3A_60 = arith.select %gt3A_59, %get3A_58, %select_n3A_50 : vector<16xi1>, vector<16xf32>
      %broadcast_in_dim3A_61 = arith.constant 5 : i32
      %broadcast_in_dim3A_62 = vector.broadcast %broadcast_in_dim3A_61 : i32 to vector<16xi32>
      %select_n3A_63 = arith.select %gt3A_59, %broadcast_in_dim3A_62, %select_n3A_53 : vector<16xi1>, vector<16xi32>
      %get3A_64 = arith.constant 6 : i32
      %get3A_65 = arith.index_cast %get3A_64 : i32 to index
      %get3A_66 = arith.index_cast %mul3A_10 : i32 to index
      %get3A_67 = tpu.vector_load %arg4[%get3A_65, %get3A_66] {strides = array<i32>} : memref<64x1024xf32, #tpu.memory_space<vmem>>, vector<1x16xf32>,
      %get3A_68 = vector.shape_cast %get3A_67 : vector<1x16xf32> to vector<16xf32>
      %gt3A_69 = arith.cmpf ogt, %get3A_68, %select_n3A_60 : vector<16xf32>
      %select_n3A_70 = arith.select %gt3A_69, %get3A_68, %select_n3A_60 : vector<16xi1>, vector<16xf32>
      %broadcast_in_dim3A_71 = arith.constant 6 : i32
      %broadcast_in_dim3A_72 = vector.broadcast %broadcast_in_dim3A_71 : i32 to vector<16xi32>
      %select_n3A_73 = arith.select %gt3A_69, %broadcast_in_dim3A_72, %select_n3A_63 : vector<16xi1>, vector<16xi32>
      %get3A_74 = arith.constant 7 : i32
      %get3A_75 = arith.index_cast %get3A_74 : i32 to index
      %get3A_76 = arith.index_cast %mul3A_10 : i32 to index
      %get3A_77 = tpu.vector_load %arg4[%get3A_75, %get3A_76] {strides = array<i32>} : memref<64x1024xf32, #tpu.memory_space<vmem>>, vector<1x16xf32>,
      %get3A_78 = vector.shape_cast %get3A_77 : vector<1x16xf32> to vector<16xf32>
      %gt3A_79 = arith.cmpf ogt, %get3A_78, %select_n3A_70 : vector<16xf32>
      %select_n3A_80 = arith.select %gt3A_79, %get3A_78, %select_n3A_70 : vector<16xi1>, vector<16xf32>
      %broadcast_in_dim3A_81 = arith.constant 7 : i32
      %broadcast_in_dim3A_82 = vector.broadcast %broadcast_in_dim3A_81 : i32 to vector<16xi32>
      %select_n3A_83 = arith.select %gt3A_79, %broadcast_in_dim3A_82, %select_n3A_73 : vector<16xi1>, vector<16xi32>
      %get3A_84 = arith.constant 8 : i32
      %get3A_85 = arith.index_cast %get3A_84 : i32 to index
      %get3A_86 = arith.index_cast %mul3A_10 : i32 to index
      %get3A_87 = tpu.vector_load %arg4[%get3A_85, %get3A_86] {strides = array<i32>} : memref<64x1024xf32, #tpu.memory_space<vmem>>, vector<1x16xf32>,
      %get3A_88 = vector.shape_cast %get3A_87 : vector<1x16xf32> to vector<16xf32>
      %gt3A_89 = arith.cmpf ogt, %get3A_88, %select_n3A_80 : vector<16xf32>
      %select_n3A_90 = arith.select %gt3A_89, %get3A_88, %select_n3A_80 : vector<16xi1>, vector<16xf32>
      %broadcast_in_dim3A_91 = arith.constant 8 : i32
      %broadcast_in_dim3A_92 = vector.broadcast %broadcast_in_dim3A_91 : i32 to vector<16xi32>
      %select_n3A_93 = arith.select %gt3A_89, %broadcast_in_dim3A_92, %select_n3A_83 : vector<16xi1>, vector<16xi32>
      %get3A_94 = arith.constant 9 : i32
      %get3A_95 = arith.index_cast %get3A_94 : i32 to index
      %get3A_96 = arith.index_cast %mul3A_10 : i32 to index
      %get3A_97 = tpu.vector_load %arg4[%get3A_95, %get3A_96] {strides = array<i32>} : memref<64x1024xf32, #tpu.memory_space<vmem>>, vector<1x16xf32>,
      %get3A_98 = vector.shape_cast %get3A_97 : vector<1x16xf32> to vector<16xf32>
      %gt3A_99 = arith.cmpf ogt, %get3A_98, %select_n3A_90 : vector<16xf32>
      %select_n3A_100 = arith.select %gt3A_99, %get3A_98, %select_n3A_90 : vector<16xi1>, vector<16xf32>
      %broadcast_in_dim3A_101 = arith.constant 9 : i32
      %broadcast_in_dim3A_102 = vector.broadcast %broadcast_in_dim3A_101 : i32 to vector<16xi32>
      %select_n3A_103 = arith.select %gt3A_99, %broadcast_in_dim3A_102, %select_n3A_93 : vector<16xi1>, vector<16xi32>
      %get3A_104 = arith.constant 10 : i32
      %get3A_105 = arith.index_cast %get3A_104 : i32 to index
      %get3A_106 = arith.index_cast %mul3A_10 : i32 to index
      %get3A_107 = tpu.vector_load %arg4[%get3A_105, %get3A_106] {strides = array<i32>} : memref<64x1024xf32, #tpu.memory_space<vmem>>, vector<1x16xf32>,
      %get3A_108 = vector.shape_cast %get3A_107 : vector<1x16xf32> to vector<16xf32>
      %gt3A_109 = arith.cmpf ogt, %get3A_108, %select_n3A_100 : vector<16xf32>
      %select_n3A_110 = arith.select %gt3A_109, %get3A_108, %select_n3A_100 : vector<16xi1>, vector<16xf32>
      %broadcast_in_dim3A_111 = arith.constant 10 : i32
      %broadcast_in_dim3A_112 = vector.broadcast %broadcast_in_dim3A_111 : i32 to vector<16xi32>
      %select_n3A_113 = arith.select %gt3A_109, %broadcast_in_dim3A_112, %select_n3A_103 : vector<16xi1>, vector<16xi32>
      %get3A_114 = arith.constant 11 : i32
      %get3A_115 = arith.index_cast %get3A_114 : i32 to index
      %get3A_116 = arith.index_cast %mul3A_10 : i32 to index
      %get3A_117 = tpu.vector_load %arg4[%get3A_115, %get3A_116] {strides = array<i32>} : memref<64x1024xf32, #tpu.memory_space<vmem>>, vector<1x16xf32>,
      %get3A_118 = vector.shape_cast %get3A_117 : vector<1x16xf32> to vector<16xf32>
      %gt3A_119 = arith.cmpf ogt, %get3A_118, %select_n3A_110 : vector<16xf32>
      %select_n3A_120 = arith.select %gt3A_119, %get3A_118, %select_n3A_110 : vector<16xi1>, vector<16xf32>
      %broadcast_in_dim3A_121 = arith.constant 11 : i32
      %broadcast_in_dim3A_122 = vector.broadcast %broadcast_in_dim3A_121 : i32 to vector<16xi32>
      %select_n3A_123 = arith.select %gt3A_119, %broadcast_in_dim3A_122, %select_n3A_113 : vector<16xi1>, vector<16xi32>
      %get3A_124 = arith.constant 12 : i32
      %get3A_125 = arith.index_cast %get3A_124 : i32 to index
      %get3A_126 = arith.index_cast %mul3A_10 : i32 to index
      %get3A_127 = tpu.vector_load %arg4[%get3A_125, %get3A_126] {strides = array<i32>} : memref<64x1024xf32, #tpu.memory_space<vmem>>, vector<1x16xf32>,
      %get3A_128 = vector.shape_cast %get3A_127 : vector<1x16xf32> to vector<16xf32>
      %gt3A_129 = arith.cmpf ogt, %get3A_128, %select_n3A_120 : vector<16xf32>
      %select_n3A_130 = arith.select %gt3A_129, %get3A_128, %select_n3A_120 : vector<16xi1>, vector<16xf32>
      %broadcast_in_dim3A_131 = arith.constant 12 : i32
      %broadcast_in_dim3A_132 = vector.broadcast %broadcast_in_dim3A_131 : i32 to vector<16xi32>
      %select_n3A_133 = arith.select %gt3A_129, %broadcast_in_dim3A_132, %select_n3A_123 : vector<16xi1>, vector<16xi32>
      %get3A_134 = arith.constant 13 : i32
      %get3A_135 = arith.index_cast %get3A_134 : i32 to index
      %get3A_136 = arith.index_cast %mul3A_10 : i32 to index
      %get3A_137 = tpu.vector_load %arg4[%get3A_135, %get3A_136] {strides = array<i32>} : memref<64x1024xf32, #tpu.memory_space<vmem>>, vector<1x16xf32>,
      %get3A_138 = vector.shape_cast %get3A_137 : vector<1x16xf32> to vector<16xf32>
      %gt3A_139 = arith.cmpf ogt, %get3A_138, %select_n3A_130 : vector<16xf32>
      %select_n3A_140 = arith.select %gt3A_139, %get3A_138, %select_n3A_130 : vector<16xi1>, vector<16xf32>
      %broadcast_in_dim3A_141 = arith.constant 13 : i32
      %broadcast_in_dim3A_142 = vector.broadcast %broadcast_in_dim3A_141 : i32 to vector<16xi32>
      %select_n3A_143 = arith.select %gt3A_139, %broadcast_in_dim3A_142, %select_n3A_133 : vector<16xi1>, vector<16xi32>
      %get3A_144 = arith.constant 14 : i32
      %get3A_145 = arith.index_cast %get3A_144 : i32 to index
      %get3A_146 = arith.index_cast %mul3A_10 : i32 to index
      %get3A_147 = tpu.vector_load %arg4[%get3A_145, %get3A_146] {strides = array<i32>} : memref<64x1024xf32, #tpu.memory_space<vmem>>, vector<1x16xf32>,
      %get3A_148 = vector.shape_cast %get3A_147 : vector<1x16xf32> to vector<16xf32>
      %gt3A_149 = arith.cmpf ogt, %get3A_148, %select_n3A_140 : vector<16xf32>
      %select_n3A_150 = arith.select %gt3A_149, %get3A_148, %select_n3A_140 : vector<16xi1>, vector<16xf32>
      %broadcast_in_dim3A_151 = arith.constant 14 : i32
      %broadcast_in_dim3A_152 = vector.broadcast %broadcast_in_dim3A_151 : i32 to vector<16xi32>
      %select_n3A_153 = arith.select %gt3A_149, %broadcast_in_dim3A_152, %select_n3A_143 : vector<16xi1>, vector<16xi32>
      %get3A_154 = arith.constant 15 : i32
      %get3A_155 = arith.index_cast %get3A_154 : i32 to index
      %get3A_156 = arith.index_cast %mul3A_10 : i32 to index
      %get3A_157 = tpu.vector_load %arg4[%get3A_155, %get3A_156] {strides = array<i32>} : memref<64x1024xf32, #tpu.memory_space<vmem>>, vector<1x16xf32>,
      %get3A_158 = vector.shape_cast %get3A_157 : vector<1x16xf32> to vector<16xf32>
      %gt3A_159 = arith.cmpf ogt, %get3A_158, %select_n3A_150 : vector<16xf32>
      %select_n3A_160 = arith.select %gt3A_159, %get3A_158, %select_n3A_150 : vector<16xi1>, vector<16xf32>
      %broadcast_in_dim3A_161 = arith.constant 15 : i32
      %broadcast_in_dim3A_162 = vector.broadcast %broadcast_in_dim3A_161 : i32 to vector<16xi32>
      %select_n3A_163 = arith.select %gt3A_159, %broadcast_in_dim3A_162, %select_n3A_153 : vector<16xi1>, vector<16xi32>
      %get3A_164 = arith.constant 16 : i32
      %get3A_165 = arith.index_cast %get3A_164 : i32 to index
      %get3A_166 = arith.index_cast %mul3A_10 : i32 to index
      %get3A_167 = tpu.vector_load %arg4[%get3A_165, %get3A_166] {strides = array<i32>} : memref<64x1024xf32, #tpu.memory_space<vmem>>, vector<1x16xf32>,
      %get3A_168 = vector.shape_cast %get3A_167 : vector<1x16xf32> to vector<16xf32>
      %gt3A_169 = arith.cmpf ogt, %get3A_168, %select_n3A_160 : vector<16xf32>
      %select_n3A_170 = arith.select %gt3A_169, %get3A_168, %select_n3A_160 : vector<16xi1>, vector<16xf32>
      %broadcast_in_dim3A_171 = arith.constant 16 : i32
      %broadcast_in_dim3A_172 = vector.broadcast %broadcast_in_dim3A_171 : i32 to vector<16xi32>
      %select_n3A_173 = arith.select %gt3A_169, %broadcast_in_dim3A_172, %select_n3A_163 : vector<16xi1>, vector<16xi32>
      %get3A_174 = arith.constant 17 : i32
      %get3A_175 = arith.index_cast %get3A_174 : i32 to index
      %get3A_176 = arith.index_cast %mul3A_10 : i32 to index
      %get3A_177 = tpu.vector_load %arg4[%get3A_175, %get3A_176] {strides = array<i32>} : memref<64x1024xf32, #tpu.memory_space<vmem>>, vector<1x16xf32>,
      %get3A_178 = vector.shape_cast %get3A_177 : vector<1x16xf32> to vector<16xf32>
      %gt3A_179 = arith.cmpf ogt, %get3A_178, %select_n3A_170 : vector<16xf32>
      %select_n3A_180 = arith.select %gt3A_179, %get3A_178, %select_n3A_170 : vector<16xi1>, vector<16xf32>
      %broadcast_in_dim3A_181 = arith.constant 17 : i32
      %broadcast_in_dim3A_182 = vector.broadcast %broadcast_in_dim3A_181 : i32 to vector<16xi32>
      %select_n3A_183 = arith.select %gt3A_179, %broadcast_in_dim3A_182, %select_n3A_173 : vector<16xi1>, vector<16xi32>
      %get3A_184 = arith.constant 18 : i32
      %get3A_185 = arith.index_cast %get3A_184 : i32 to index
      %get3A_186 = arith.index_cast %mul3A_10 : i32 to index
      %get3A_187 = tpu.vector_load %arg4[%get3A_185, %get3A_186] {strides = array<i32>} : memref<64x1024xf32, #tpu.memory_space<vmem>>, vector<1x16xf32>,
      %get3A_188 = vector.shape_cast %get3A_187 : vector<1x16xf32> to vector<16xf32>
      %gt3A_189 = arith.cmpf ogt, %get3A_188, %select_n3A_180 : vector<16xf32>
      %select_n3A_190 = arith.select %gt3A_189, %get3A_188, %select_n3A_180 : vector<16xi1>, vector<16xf32>
      %broadcast_in_dim3A_191 = arith.constant 18 : i32
      %broadcast_in_dim3A_192 = vector.broadcast %broadcast_in_dim3A_191 : i32 to vector<16xi32>
      %select_n3A_193 = arith.select %gt3A_189, %broadcast_in_dim3A_192, %select_n3A_183 : vector<16xi1>, vector<16xi32>
      %get3A_194 = arith.constant 19 : i32
      %get3A_195 = arith.index_cast %get3A_194 : i32 to index
      %get3A_196 = arith.index_cast %mul3A_10 : i32 to index
      %get3A_197 = tpu.vector_load %arg4[%get3A_195, %get3A_196] {strides = array<i32>} : memref<64x1024xf32, #tpu.memory_space<vmem>>, vector<1x16xf32>,
      %get3A_198 = vector.shape_cast %get3A_197 : vector<1x16xf32> to vector<16xf32>
      %gt3A_199 = arith.cmpf ogt, %get3A_198, %select_n3A_190 : vector<16xf32>
      %select_n3A_200 = arith.select %gt3A_199, %get3A_198, %select_n3A_190 : vector<16xi1>, vector<16xf32>
      %broadcast_in_dim3A_201 = arith.constant 19 : i32
      %broadcast_in_dim3A_202 = vector.broadcast %broadcast_in_dim3A_201 : i32 to vector<16xi32>
      %select_n3A_203 = arith.select %gt3A_199, %broadcast_in_dim3A_202, %select_n3A_193 : vector<16xi1>, vector<16xi32>
      %get3A_204 = arith.constant 20 : i32
      %get3A_205 = arith.index_cast %get3A_204 : i32 to index
      %get3A_206 = arith.index_cast %mul3A_10 : i32 to index
      %get3A_207 = tpu.vector_load %arg4[%get3A_205, %get3A_206] {strides = array<i32>} : memref<64x1024xf32, #tpu.memory_space<vmem>>, vector<1x16xf32>,
      %get3A_208 = vector.shape_cast %get3A_207 : vector<1x16xf32> to vector<16xf32>
      %gt3A_209 = arith.cmpf ogt, %get3A_208, %select_n3A_200 : vector<16xf32>
      %select_n3A_210 = arith.select %gt3A_209, %get3A_208, %select_n3A_200 : vector<16xi1>, vector<16xf32>
      %broadcast_in_dim3A_211 = arith.constant 20 : i32
      %broadcast_in_dim3A_212 = vector.broadcast %broadcast_in_dim3A_211 : i32 to vector<16xi32>
      %select_n3A_213 = arith.select %gt3A_209, %broadcast_in_dim3A_212, %select_n3A_203 : vector<16xi1>, vector<16xi32>
      %get3A_214 = arith.constant 21 : i32
      %get3A_215 = arith.index_cast %get3A_214 : i32 to index
      %get3A_216 = arith.index_cast %mul3A_10 : i32 to index
      %get3A_217 = tpu.vector_load %arg4[%get3A_215, %get3A_216] {strides = array<i32>} : memref<64x1024xf32, #tpu.memory_space<vmem>>, vector<1x16xf32>,
      %get3A_218 = vector.shape_cast %get3A_217 : vector<1x16xf32> to vector<16xf32>
      %gt3A_219 = arith.cmpf ogt, %get3A_218, %select_n3A_210 : vector<16xf32>
      %select_n3A_220 = arith.select %gt3A_219, %get3A_218, %select_n3A_210 : vector<16xi1>, vector<16xf32>
      %broadcast_in_dim3A_221 = arith.constant 21 : i32
      %broadcast_in_dim3A_222 = vector.broadcast %broadcast_in_dim3A_221 : i32 to vector<16xi32>
      %select_n3A_223 = arith.select %gt3A_219, %broadcast_in_dim3A_222, %select_n3A_213 : vector<16xi1>, vector<16xi32>
      %get3A_224 = arith.constant 22 : i32
      %get3A_225 = arith.index_cast %get3A_224 : i32 to index
      %get3A_226 = arith.index_cast %mul3A_10 : i32 to index
      %get3A_227 = tpu.vector_load %arg4[%get3A_225, %get3A_226] {strides = array<i32>} : memref<64x1024xf32, #tpu.memory_space<vmem>>, vector<1x16xf32>,
      %get3A_228 = vector.shape_cast %get3A_227 : vector<1x16xf32> to vector<16xf32>
      %gt3A_229 = arith.cmpf ogt, %get3A_228, %select_n3A_220 : vector<16xf32>
      %select_n3A_230 = arith.select %gt3A_229, %get3A_228, %select_n3A_220 : vector<16xi1>, vector<16xf32>
      %broadcast_in_dim3A_231 = arith.constant 22 : i32
      %broadcast_in_dim3A_232 = vector.broadcast %broadcast_in_dim3A_231 : i32 to vector<16xi32>
      %select_n3A_233 = arith.select %gt3A_229, %broadcast_in_dim3A_232, %select_n3A_223 : vector<16xi1>, vector<16xi32>
      %get3A_234 = arith.constant 23 : i32
      %get3A_235 = arith.index_cast %get3A_234 : i32 to index
      %get3A_236 = arith.index_cast %mul3A_10 : i32 to index
      %get3A_237 = tpu.vector_load %arg4[%get3A_235, %get3A_236] {strides = array<i32>} : memref<64x1024xf32, #tpu.memory_space<vmem>>, vector<1x16xf32>,
      %get3A_238 = vector.shape_cast %get3A_237 : vector<1x16xf32> to vector<16xf32>
      %gt3A_239 = arith.cmpf ogt, %get3A_238, %select_n3A_230 : vector<16xf32>
      %select_n3A_240 = arith.select %gt3A_239, %get3A_238, %select_n3A_230 : vector<16xi1>, vector<16xf32>
      %broadcast_in_dim3A_241 = arith.constant 23 : i32
      %broadcast_in_dim3A_242 = vector.broadcast %broadcast_in_dim3A_241 : i32 to vector<16xi32>
      %select_n3A_243 = arith.select %gt3A_239, %broadcast_in_dim3A_242, %select_n3A_233 : vector<16xi1>, vector<16xi32>
      %get3A_244 = arith.constant 24 : i32
      %get3A_245 = arith.index_cast %get3A_244 : i32 to index
      %get3A_246 = arith.index_cast %mul3A_10 : i32 to index
      %get3A_247 = tpu.vector_load %arg4[%get3A_245, %get3A_246] {strides = array<i32>} : memref<64x1024xf32, #tpu.memory_space<vmem>>, vector<1x16xf32>,
      %get3A_248 = vector.shape_cast %get3A_247 : vector<1x16xf32> to vector<16xf32>
      %gt3A_249 = arith.cmpf ogt, %get3A_248, %select_n3A_240 : vector<16xf32>
      %select_n3A_250 = arith.select %gt3A_249, %get3A_248, %select_n3A_240 : vector<16xi1>, vector<16xf32>
      %broadcast_in_dim3A_251 = arith.constant 24 : i32
      %broadcast_in_dim3A_252 = vector.broadcast %broadcast_in_dim3A_251 : i32 to vector<16xi32>
      %select_n3A_253 = arith.select %gt3A_249, %broadcast_in_dim3A_252, %select_n3A_243 : vector<16xi1>, vector<16xi32>
      %get3A_254 = arith.constant 25 : i32
      %get3A_255 = arith.index_cast %get3A_254 : i32 to index
      %get3A_256 = arith.index_cast %mul3A_10 : i32 to index
      %get3A_257 = tpu.vector_load %arg4[%get3A_255, %get3A_256] {strides = array<i32>} : memref<64x1024xf32, #tpu.memory_space<vmem>>, vector<1x16xf32>,
      %get3A_258 = vector.shape_cast %get3A_257 : vector<1x16xf32> to vector<16xf32>
      %gt3A_259 = arith.cmpf ogt, %get3A_258, %select_n3A_250 : vector<16xf32>
      %select_n3A_260 = arith.select %gt3A_259, %get3A_258, %select_n3A_250 : vector<16xi1>, vector<16xf32>
      %broadcast_in_dim3A_261 = arith.constant 25 : i32
      %broadcast_in_dim3A_262 = vector.broadcast %broadcast_in_dim3A_261 : i32 to vector<16xi32>
      %select_n3A_263 = arith.select %gt3A_259, %broadcast_in_dim3A_262, %select_n3A_253 : vector<16xi1>, vector<16xi32>
      %get3A_264 = arith.constant 26 : i32
      %get3A_265 = arith.index_cast %get3A_264 : i32 to index
      %get3A_266 = arith.index_cast %mul3A_10 : i32 to index
      %get3A_267 = tpu.vector_load %arg4[%get3A_265, %get3A_266] {strides = array<i32>} : memref<64x1024xf32, #tpu.memory_space<vmem>>, vector<1x16xf32>,
      %get3A_268 = vector.shape_cast %get3A_267 : vector<1x16xf32> to vector<16xf32>
      %gt3A_269 = arith.cmpf ogt, %get3A_268, %select_n3A_260 : vector<16xf32>
      %select_n3A_270 = arith.select %gt3A_269, %get3A_268, %select_n3A_260 : vector<16xi1>, vector<16xf32>
      %broadcast_in_dim3A_271 = arith.constant 26 : i32
      %broadcast_in_dim3A_272 = vector.broadcast %broadcast_in_dim3A_271 : i32 to vector<16xi32>
      %select_n3A_273 = arith.select %gt3A_269, %broadcast_in_dim3A_272, %select_n3A_263 : vector<16xi1>, vector<16xi32>
      %get3A_274 = arith.constant 27 : i32
      %get3A_275 = arith.index_cast %get3A_274 : i32 to index
      %get3A_276 = arith.index_cast %mul3A_10 : i32 to index
      %get3A_277 = tpu.vector_load %arg4[%get3A_275, %get3A_276] {strides = array<i32>} : memref<64x1024xf32, #tpu.memory_space<vmem>>, vector<1x16xf32>,
      %get3A_278 = vector.shape_cast %get3A_277 : vector<1x16xf32> to vector<16xf32>
      %gt3A_279 = arith.cmpf ogt, %get3A_278, %select_n3A_270 : vector<16xf32>
      %select_n3A_280 = arith.select %gt3A_279, %get3A_278, %select_n3A_270 : vector<16xi1>, vector<16xf32>
      %broadcast_in_dim3A_281 = arith.constant 27 : i32
      %broadcast_in_dim3A_282 = vector.broadcast %broadcast_in_dim3A_281 : i32 to vector<16xi32>
      %select_n3A_283 = arith.select %gt3A_279, %broadcast_in_dim3A_282, %select_n3A_273 : vector<16xi1>, vector<16xi32>
      %get3A_284 = arith.constant 28 : i32
      %get3A_285 = arith.index_cast %get3A_284 : i32 to index
      %get3A_286 = arith.index_cast %mul3A_10 : i32 to index
      %get3A_287 = tpu.vector_load %arg4[%get3A_285, %get3A_286] {strides = array<i32>} : memref<64x1024xf32, #tpu.memory_space<vmem>>, vector<1x16xf32>,
      %get3A_288 = vector.shape_cast %get3A_287 : vector<1x16xf32> to vector<16xf32>
      %gt3A_289 = arith.cmpf ogt, %get3A_288, %select_n3A_280 : vector<16xf32>
      %select_n3A_290 = arith.select %gt3A_289, %get3A_288, %select_n3A_280 : vector<16xi1>, vector<16xf32>
      %broadcast_in_dim3A_291 = arith.constant 28 : i32
      %broadcast_in_dim3A_292 = vector.broadcast %broadcast_in_dim3A_291 : i32 to vector<16xi32>
      %select_n3A_293 = arith.select %gt3A_289, %broadcast_in_dim3A_292, %select_n3A_283 : vector<16xi1>, vector<16xi32>
      %get3A_294 = arith.constant 29 : i32
      %get3A_295 = arith.index_cast %get3A_294 : i32 to index
      %get3A_296 = arith.index_cast %mul3A_10 : i32 to index
      %get3A_297 = tpu.vector_load %arg4[%get3A_295, %get3A_296] {strides = array<i32>} : memref<64x1024xf32, #tpu.memory_space<vmem>>, vector<1x16xf32>,
      %get3A_298 = vector.shape_cast %get3A_297 : vector<1x16xf32> to vector<16xf32>
      %gt3A_299 = arith.cmpf ogt, %get3A_298, %select_n3A_290 : vector<16xf32>
      %select_n3A_300 = arith.select %gt3A_299, %get3A_298, %select_n3A_290 : vector<16xi1>, vector<16xf32>
      %broadcast_in_dim3A_301 = arith.constant 29 : i32
      %broadcast_in_dim3A_302 = vector.broadcast %broadcast_in_dim3A_301 : i32 to vector<16xi32>
      %select_n3A_303 = arith.select %gt3A_299, %broadcast_in_dim3A_302, %select_n3A_293 : vector<16xi1>, vector<16xi32>
      %get3A_304 = arith.constant 30 : i32
      %get3A_305 = arith.index_cast %get3A_304 : i32 to index
      %get3A_306 = arith.index_cast %mul3A_10 : i32 to index
      %get3A_307 = tpu.vector_load %arg4[%get3A_305, %get3A_306] {strides = array<i32>} : memref<64x1024xf32, #tpu.memory_space<vmem>>, vector<1x16xf32>,
      %get3A_308 = vector.shape_cast %get3A_307 : vector<1x16xf32> to vector<16xf32>
      %gt3A_309 = arith.cmpf ogt, %get3A_308, %select_n3A_300 : vector<16xf32>
      %select_n3A_310 = arith.select %gt3A_309, %get3A_308, %select_n3A_300 : vector<16xi1>, vector<16xf32>
      %broadcast_in_dim3A_311 = arith.constant 30 : i32
      %broadcast_in_dim3A_312 = vector.broadcast %broadcast_in_dim3A_311 : i32 to vector<16xi32>
      %select_n3A_313 = arith.select %gt3A_309, %broadcast_in_dim3A_312, %select_n3A_303 : vector<16xi1>, vector<16xi32>
      %get3A_314 = arith.constant 31 : i32
      %get3A_315 = arith.index_cast %get3A_314 : i32 to index
      %get3A_316 = arith.index_cast %mul3A_10 : i32 to index
      %get3A_317 = tpu.vector_load %arg4[%get3A_315, %get3A_316] {strides = array<i32>} : memref<64x1024xf32, #tpu.memory_space<vmem>>, vector<1x16xf32>,
      %get3A_318 = vector.shape_cast %get3A_317 : vector<1x16xf32> to vector<16xf32>
      %gt3A_319 = arith.cmpf ogt, %get3A_318, %select_n3A_310 : vector<16xf32>
      %select_n3A_320 = arith.select %gt3A_319, %get3A_318, %select_n3A_310 : vector<16xi1>, vector<16xf32>
      %broadcast_in_dim3A_321 = arith.constant 31 : i32
      %broadcast_in_dim3A_322 = vector.broadcast %broadcast_in_dim3A_321 : i32 to vector<16xi32>
      %select_n3A_323 = arith.select %gt3A_319, %broadcast_in_dim3A_322, %select_n3A_313 : vector<16xi1>, vector<16xi32>
      %get3A_324 = arith.constant 32 : i32
      %get3A_325 = arith.index_cast %get3A_324 : i32 to index
      %get3A_326 = arith.index_cast %mul3A_10 : i32 to index
      %get3A_327 = tpu.vector_load %arg4[%get3A_325, %get3A_326] {strides = array<i32>} : memref<64x1024xf32, #tpu.memory_space<vmem>>, vector<1x16xf32>,
      %get3A_328 = vector.shape_cast %get3A_327 : vector<1x16xf32> to vector<16xf32>
      %gt3A_329 = arith.cmpf ogt, %get3A_328, %select_n3A_320 : vector<16xf32>
      %select_n3A_330 = arith.select %gt3A_329, %get3A_328, %select_n3A_320 : vector<16xi1>, vector<16xf32>
      %broadcast_in_dim3A_331 = arith.constant 32 : i32
      %broadcast_in_dim3A_332 = vector.broadcast %broadcast_in_dim3A_331 : i32 to vector<16xi32>
      %select_n3A_333 = arith.select %gt3A_329, %broadcast_in_dim3A_332, %select_n3A_323 : vector<16xi1>, vector<16xi32>
      %get3A_334 = arith.constant 33 : i32
      %get3A_335 = arith.index_cast %get3A_334 : i32 to index
      %get3A_336 = arith.index_cast %mul3A_10 : i32 to index
      %get3A_337 = tpu.vector_load %arg4[%get3A_335, %get3A_336] {strides = array<i32>} : memref<64x1024xf32, #tpu.memory_space<vmem>>, vector<1x16xf32>,
      %get3A_338 = vector.shape_cast %get3A_337 : vector<1x16xf32> to vector<16xf32>
      %gt3A_339 = arith.cmpf ogt, %get3A_338, %select_n3A_330 : vector<16xf32>
      %select_n3A_340 = arith.select %gt3A_339, %get3A_338, %select_n3A_330 : vector<16xi1>, vector<16xf32>
      %broadcast_in_dim3A_341 = arith.constant 33 : i32
      %broadcast_in_dim3A_342 = vector.broadcast %broadcast_in_dim3A_341 : i32 to vector<16xi32>
      %select_n3A_343 = arith.select %gt3A_339, %broadcast_in_dim3A_342, %select_n3A_333 : vector<16xi1>, vector<16xi32>
      %get3A_344 = arith.constant 34 : i32
      %get3A_345 = arith.index_cast %get3A_344 : i32 to index
      %get3A_346 = arith.index_cast %mul3A_10 : i32 to index
      %get3A_347 = tpu.vector_load %arg4[%get3A_345, %get3A_346] {strides = array<i32>} : memref<64x1024xf32, #tpu.memory_space<vmem>>, vector<1x16xf32>,
      %get3A_348 = vector.shape_cast %get3A_347 : vector<1x16xf32> to vector<16xf32>
      %gt3A_349 = arith.cmpf ogt, %get3A_348, %select_n3A_340 : vector<16xf32>
      %select_n3A_350 = arith.select %gt3A_349, %get3A_348, %select_n3A_340 : vector<16xi1>, vector<16xf32>
      %broadcast_in_dim3A_351 = arith.constant 34 : i32
      %broadcast_in_dim3A_352 = vector.broadcast %broadcast_in_dim3A_351 : i32 to vector<16xi32>
      %select_n3A_353 = arith.select %gt3A_349, %broadcast_in_dim3A_352, %select_n3A_343 : vector<16xi1>, vector<16xi32>
      %get3A_354 = arith.constant 35 : i32
      %get3A_355 = arith.index_cast %get3A_354 : i32 to index
      %get3A_356 = arith.index_cast %mul3A_10 : i32 to index
      %get3A_357 = tpu.vector_load %arg4[%get3A_355, %get3A_356] {strides = array<i32>} : memref<64x1024xf32, #tpu.memory_space<vmem>>, vector<1x16xf32>,
      %get3A_358 = vector.shape_cast %get3A_357 : vector<1x16xf32> to vector<16xf32>
      %gt3A_359 = arith.cmpf ogt, %get3A_358, %select_n3A_350 : vector<16xf32>
      %select_n3A_360 = arith.select %gt3A_359, %get3A_358, %select_n3A_350 : vector<16xi1>, vector<16xf32>
      %broadcast_in_dim3A_361 = arith.constant 35 : i32
      %broadcast_in_dim3A_362 = vector.broadcast %broadcast_in_dim3A_361 : i32 to vector<16xi32>
      %select_n3A_363 = arith.select %gt3A_359, %broadcast_in_dim3A_362, %select_n3A_353 : vector<16xi1>, vector<16xi32>
      %get3A_364 = arith.constant 36 : i32
      %get3A_365 = arith.index_cast %get3A_364 : i32 to index
      %get3A_366 = arith.index_cast %mul3A_10 : i32 to index
      %get3A_367 = tpu.vector_load %arg4[%get3A_365, %get3A_366] {strides = array<i32>} : memref<64x1024xf32, #tpu.memory_space<vmem>>, vector<1x16xf32>,
      %get3A_368 = vector.shape_cast %get3A_367 : vector<1x16xf32> to vector<16xf32>
      %gt3A_369 = arith.cmpf ogt, %get3A_368, %select_n3A_360 : vector<16xf32>
      %select_n3A_370 = arith.select %gt3A_369, %get3A_368, %select_n3A_360 : vector<16xi1>, vector<16xf32>
      %broadcast_in_dim3A_371 = arith.constant 36 : i32
      %broadcast_in_dim3A_372 = vector.broadcast %broadcast_in_dim3A_371 : i32 to vector<16xi32>
      %select_n3A_373 = arith.select %gt3A_369, %broadcast_in_dim3A_372, %select_n3A_363 : vector<16xi1>, vector<16xi32>
      %get3A_374 = arith.constant 37 : i32
      %get3A_375 = arith.index_cast %get3A_374 : i32 to index
      %get3A_376 = arith.index_cast %mul3A_10 : i32 to index
      %get3A_377 = tpu.vector_load %arg4[%get3A_375, %get3A_376] {strides = array<i32>} : memref<64x1024xf32, #tpu.memory_space<vmem>>, vector<1x16xf32>,
      %get3A_378 = vector.shape_cast %get3A_377 : vector<1x16xf32> to vector<16xf32>
      %gt3A_379 = arith.cmpf ogt, %get3A_378, %select_n3A_370 : vector<16xf32>
      %select_n3A_380 = arith.select %gt3A_379, %get3A_378, %select_n3A_370 : vector<16xi1>, vector<16xf32>
      %broadcast_in_dim3A_381 = arith.constant 37 : i32
      %broadcast_in_dim3A_382 = vector.broadcast %broadcast_in_dim3A_381 : i32 to vector<16xi32>
      %select_n3A_383 = arith.select %gt3A_379, %broadcast_in_dim3A_382, %select_n3A_373 : vector<16xi1>, vector<16xi32>
      %get3A_384 = arith.constant 38 : i32
      %get3A_385 = arith.index_cast %get3A_384 : i32 to index
      %get3A_386 = arith.index_cast %mul3A_10 : i32 to index
      %get3A_387 = tpu.vector_load %arg4[%get3A_385, %get3A_386] {strides = array<i32>} : memref<64x1024xf32, #tpu.memory_space<vmem>>, vector<1x16xf32>,
      %get3A_388 = vector.shape_cast %get3A_387 : vector<1x16xf32> to vector<16xf32>
      %gt3A_389 = arith.cmpf ogt, %get3A_388, %select_n3A_380 : vector<16xf32>
      %select_n3A_390 = arith.select %gt3A_389, %get3A_388, %select_n3A_380 : vector<16xi1>, vector<16xf32>
      %broadcast_in_dim3A_391 = arith.constant 38 : i32
      %broadcast_in_dim3A_392 = vector.broadcast %broadcast_in_dim3A_391 : i32 to vector<16xi32>
      %select_n3A_393 = arith.select %gt3A_389, %broadcast_in_dim3A_392, %select_n3A_383 : vector<16xi1>, vector<16xi32>
      %get3A_394 = arith.constant 39 : i32
      %get3A_395 = arith.index_cast %get3A_394 : i32 to index
      %get3A_396 = arith.index_cast %mul3A_10 : i32 to index
      %get3A_397 = tpu.vector_load %arg4[%get3A_395, %get3A_396] {strides = array<i32>} : memref<64x1024xf32, #tpu.memory_space<vmem>>, vector<1x16xf32>,
      %get3A_398 = vector.shape_cast %get3A_397 : vector<1x16xf32> to vector<16xf32>
      %gt3A_399 = arith.cmpf ogt, %get3A_398, %select_n3A_390 : vector<16xf32>
      %select_n3A_400 = arith.select %gt3A_399, %get3A_398, %select_n3A_390 : vector<16xi1>, vector<16xf32>
      %broadcast_in_dim3A_401 = arith.constant 39 : i32
      %broadcast_in_dim3A_402 = vector.broadcast %broadcast_in_dim3A_401 : i32 to vector<16xi32>
      %select_n3A_403 = arith.select %gt3A_399, %broadcast_in_dim3A_402, %select_n3A_393 : vector<16xi1>, vector<16xi32>
      %get3A_404 = arith.constant 40 : i32
      %get3A_405 = arith.index_cast %get3A_404 : i32 to index
      %get3A_406 = arith.index_cast %mul3A_10 : i32 to index
      %get3A_407 = tpu.vector_load %arg4[%get3A_405, %get3A_406] {strides = array<i32>} : memref<64x1024xf32, #tpu.memory_space<vmem>>, vector<1x16xf32>,
      %get3A_408 = vector.shape_cast %get3A_407 : vector<1x16xf32> to vector<16xf32>
      %gt3A_409 = arith.cmpf ogt, %get3A_408, %select_n3A_400 : vector<16xf32>
      %select_n3A_410 = arith.select %gt3A_409, %get3A_408, %select_n3A_400 : vector<16xi1>, vector<16xf32>
      %broadcast_in_dim3A_411 = arith.constant 40 : i32
      %broadcast_in_dim3A_412 = vector.broadcast %broadcast_in_dim3A_411 : i32 to vector<16xi32>
      %select_n3A_413 = arith.select %gt3A_409, %broadcast_in_dim3A_412, %select_n3A_403 : vector<16xi1>, vector<16xi32>
      %get3A_414 = arith.constant 41 : i32
      %get3A_415 = arith.index_cast %get3A_414 : i32 to index
      %get3A_416 = arith.index_cast %mul3A_10 : i32 to index
      %get3A_417 = tpu.vector_load %arg4[%get3A_415, %get3A_416] {strides = array<i32>} : memref<64x1024xf32, #tpu.memory_space<vmem>>, vector<1x16xf32>,
      %get3A_418 = vector.shape_cast %get3A_417 : vector<1x16xf32> to vector<16xf32>
      %gt3A_419 = arith.cmpf ogt, %get3A_418, %select_n3A_410 : vector<16xf32>
      %select_n3A_420 = arith.select %gt3A_419, %get3A_418, %select_n3A_410 : vector<16xi1>, vector<16xf32>
      %broadcast_in_dim3A_421 = arith.constant 41 : i32
      %broadcast_in_dim3A_422 = vector.broadcast %broadcast_in_dim3A_421 : i32 to vector<16xi32>
      %select_n3A_423 = arith.select %gt3A_419, %broadcast_in_dim3A_422, %select_n3A_413 : vector<16xi1>, vector<16xi32>
      %get3A_424 = arith.constant 42 : i32
      %get3A_425 = arith.index_cast %get3A_424 : i32 to index
      %get3A_426 = arith.index_cast %mul3A_10 : i32 to index
      %get3A_427 = tpu.vector_load %arg4[%get3A_425, %get3A_426] {strides = array<i32>} : memref<64x1024xf32, #tpu.memory_space<vmem>>, vector<1x16xf32>,
      %get3A_428 = vector.shape_cast %get3A_427 : vector<1x16xf32> to vector<16xf32>
      %gt3A_429 = arith.cmpf ogt, %get3A_428, %select_n3A_420 : vector<16xf32>
      %select_n3A_430 = arith.select %gt3A_429, %get3A_428, %select_n3A_420 : vector<16xi1>, vector<16xf32>
      %broadcast_in_dim3A_431 = arith.constant 42 : i32
      %broadcast_in_dim3A_432 = vector.broadcast %broadcast_in_dim3A_431 : i32 to vector<16xi32>
      %select_n3A_433 = arith.select %gt3A_429, %broadcast_in_dim3A_432, %select_n3A_423 : vector<16xi1>, vector<16xi32>
      %get3A_434 = arith.constant 43 : i32
      %get3A_435 = arith.index_cast %get3A_434 : i32 to index
      %get3A_436 = arith.index_cast %mul3A_10 : i32 to index
      %get3A_437 = tpu.vector_load %arg4[%get3A_435, %get3A_436] {strides = array<i32>} : memref<64x1024xf32, #tpu.memory_space<vmem>>, vector<1x16xf32>,
      %get3A_438 = vector.shape_cast %get3A_437 : vector<1x16xf32> to vector<16xf32>
      %gt3A_439 = arith.cmpf ogt, %get3A_438, %select_n3A_430 : vector<16xf32>
      %select_n3A_440 = arith.select %gt3A_439, %get3A_438, %select_n3A_430 : vector<16xi1>, vector<16xf32>
      %broadcast_in_dim3A_441 = arith.constant 43 : i32
      %broadcast_in_dim3A_442 = vector.broadcast %broadcast_in_dim3A_441 : i32 to vector<16xi32>
      %select_n3A_443 = arith.select %gt3A_439, %broadcast_in_dim3A_442, %select_n3A_433 : vector<16xi1>, vector<16xi32>
      %get3A_444 = arith.constant 44 : i32
      %get3A_445 = arith.index_cast %get3A_444 : i32 to index
      %get3A_446 = arith.index_cast %mul3A_10 : i32 to index
      %get3A_447 = tpu.vector_load %arg4[%get3A_445, %get3A_446] {strides = array<i32>} : memref<64x1024xf32, #tpu.memory_space<vmem>>, vector<1x16xf32>,
      %get3A_448 = vector.shape_cast %get3A_447 : vector<1x16xf32> to vector<16xf32>
      %gt3A_449 = arith.cmpf ogt, %get3A_448, %select_n3A_440 : vector<16xf32>
      %select_n3A_450 = arith.select %gt3A_449, %get3A_448, %select_n3A_440 : vector<16xi1>, vector<16xf32>
      %broadcast_in_dim3A_451 = arith.constant 44 : i32
      %broadcast_in_dim3A_452 = vector.broadcast %broadcast_in_dim3A_451 : i32 to vector<16xi32>
      %select_n3A_453 = arith.select %gt3A_449, %broadcast_in_dim3A_452, %select_n3A_443 : vector<16xi1>, vector<16xi32>
      %get3A_454 = arith.constant 45 : i32
      %get3A_455 = arith.index_cast %get3A_454 : i32 to index
      %get3A_456 = arith.index_cast %mul3A_10 : i32 to index
      %get3A_457 = tpu.vector_load %arg4[%get3A_455, %get3A_456] {strides = array<i32>} : memref<64x1024xf32, #tpu.memory_space<vmem>>, vector<1x16xf32>,
      %get3A_458 = vector.shape_cast %get3A_457 : vector<1x16xf32> to vector<16xf32>
      %gt3A_459 = arith.cmpf ogt, %get3A_458, %select_n3A_450 : vector<16xf32>
      %select_n3A_460 = arith.select %gt3A_459, %get3A_458, %select_n3A_450 : vector<16xi1>, vector<16xf32>
      %broadcast_in_dim3A_461 = arith.constant 45 : i32
      %broadcast_in_dim3A_462 = vector.broadcast %broadcast_in_dim3A_461 : i32 to vector<16xi32>
      %select_n3A_463 = arith.select %gt3A_459, %broadcast_in_dim3A_462, %select_n3A_453 : vector<16xi1>, vector<16xi32>
      %get3A_464 = arith.constant 46 : i32
      %get3A_465 = arith.index_cast %get3A_464 : i32 to index
      %get3A_466 = arith.index_cast %mul3A_10 : i32 to index
      %get3A_467 = tpu.vector_load %arg4[%get3A_465, %get3A_466] {strides = array<i32>} : memref<64x1024xf32, #tpu.memory_space<vmem>>, vector<1x16xf32>,
      %get3A_468 = vector.shape_cast %get3A_467 : vector<1x16xf32> to vector<16xf32>
      %gt3A_469 = arith.cmpf ogt, %get3A_468, %select_n3A_460 : vector<16xf32>
      %select_n3A_470 = arith.select %gt3A_469, %get3A_468, %select_n3A_460 : vector<16xi1>, vector<16xf32>
      %broadcast_in_dim3A_471 = arith.constant 46 : i32
      %broadcast_in_dim3A_472 = vector.broadcast %broadcast_in_dim3A_471 : i32 to vector<16xi32>
      %select_n3A_473 = arith.select %gt3A_469, %broadcast_in_dim3A_472, %select_n3A_463 : vector<16xi1>, vector<16xi32>
      %get3A_474 = arith.constant 47 : i32
      %get3A_475 = arith.index_cast %get3A_474 : i32 to index
      %get3A_476 = arith.index_cast %mul3A_10 : i32 to index
      %get3A_477 = tpu.vector_load %arg4[%get3A_475, %get3A_476] {strides = array<i32>} : memref<64x1024xf32, #tpu.memory_space<vmem>>, vector<1x16xf32>,
      %get3A_478 = vector.shape_cast %get3A_477 : vector<1x16xf32> to vector<16xf32>
      %gt3A_479 = arith.cmpf ogt, %get3A_478, %select_n3A_470 : vector<16xf32>
      %select_n3A_480 = arith.select %gt3A_479, %get3A_478, %select_n3A_470 : vector<16xi1>, vector<16xf32>
      %broadcast_in_dim3A_481 = arith.constant 47 : i32
      %broadcast_in_dim3A_482 = vector.broadcast %broadcast_in_dim3A_481 : i32 to vector<16xi32>
      %select_n3A_483 = arith.select %gt3A_479, %broadcast_in_dim3A_482, %select_n3A_473 : vector<16xi1>, vector<16xi32>
      %get3A_484 = arith.constant 48 : i32
      %get3A_485 = arith.index_cast %get3A_484 : i32 to index
      %get3A_486 = arith.index_cast %mul3A_10 : i32 to index
      %get3A_487 = tpu.vector_load %arg4[%get3A_485, %get3A_486] {strides = array<i32>} : memref<64x1024xf32, #tpu.memory_space<vmem>>, vector<1x16xf32>,
      %get3A_488 = vector.shape_cast %get3A_487 : vector<1x16xf32> to vector<16xf32>
      %gt3A_489 = arith.cmpf ogt, %get3A_488, %select_n3A_480 : vector<16xf32>
      %select_n3A_490 = arith.select %gt3A_489, %get3A_488, %select_n3A_480 : vector<16xi1>, vector<16xf32>
      %broadcast_in_dim3A_491 = arith.constant 48 : i32
      %broadcast_in_dim3A_492 = vector.broadcast %broadcast_in_dim3A_491 : i32 to vector<16xi32>
      %select_n3A_493 = arith.select %gt3A_489, %broadcast_in_dim3A_492, %select_n3A_483 : vector<16xi1>, vector<16xi32>
      %get3A_494 = arith.constant 49 : i32
      %get3A_495 = arith.index_cast %get3A_494 : i32 to index
      %get3A_496 = arith.index_cast %mul3A_10 : i32 to index
      %get3A_497 = tpu.vector_load %arg4[%get3A_495, %get3A_496] {strides = array<i32>} : memref<64x1024xf32, #tpu.memory_space<vmem>>, vector<1x16xf32>,
      %get3A_498 = vector.shape_cast %get3A_497 : vector<1x16xf32> to vector<16xf32>
      %gt3A_499 = arith.cmpf ogt, %get3A_498, %select_n3A_490 : vector<16xf32>
      %select_n3A_500 = arith.select %gt3A_499, %get3A_498, %select_n3A_490 : vector<16xi1>, vector<16xf32>
      %broadcast_in_dim3A_501 = arith.constant 49 : i32
      %broadcast_in_dim3A_502 = vector.broadcast %broadcast_in_dim3A_501 : i32 to vector<16xi32>
      %select_n3A_503 = arith.select %gt3A_499, %broadcast_in_dim3A_502, %select_n3A_493 : vector<16xi1>, vector<16xi32>
      %get3A_504 = arith.constant 50 : i32
      %get3A_505 = arith.index_cast %get3A_504 : i32 to index
      %get3A_506 = arith.index_cast %mul3A_10 : i32 to index
      %get3A_507 = tpu.vector_load %arg4[%get3A_505, %get3A_506] {strides = array<i32>} : memref<64x1024xf32, #tpu.memory_space<vmem>>, vector<1x16xf32>,
      %get3A_508 = vector.shape_cast %get3A_507 : vector<1x16xf32> to vector<16xf32>
      %gt3A_509 = arith.cmpf ogt, %get3A_508, %select_n3A_500 : vector<16xf32>
      %select_n3A_510 = arith.select %gt3A_509, %get3A_508, %select_n3A_500 : vector<16xi1>, vector<16xf32>
      %broadcast_in_dim3A_511 = arith.constant 50 : i32
      %broadcast_in_dim3A_512 = vector.broadcast %broadcast_in_dim3A_511 : i32 to vector<16xi32>
      %select_n3A_513 = arith.select %gt3A_509, %broadcast_in_dim3A_512, %select_n3A_503 : vector<16xi1>, vector<16xi32>
      %get3A_514 = arith.constant 51 : i32
      %get3A_515 = arith.index_cast %get3A_514 : i32 to index
      %get3A_516 = arith.index_cast %mul3A_10 : i32 to index
      %get3A_517 = tpu.vector_load %arg4[%get3A_515, %get3A_516] {strides = array<i32>} : memref<64x1024xf32, #tpu.memory_space<vmem>>, vector<1x16xf32>,
      %get3A_518 = vector.shape_cast %get3A_517 : vector<1x16xf32> to vector<16xf32>
      %gt3A_519 = arith.cmpf ogt, %get3A_518, %select_n3A_510 : vector<16xf32>
      %select_n3A_520 = arith.select %gt3A_519, %get3A_518, %select_n3A_510 : vector<16xi1>, vector<16xf32>
      %broadcast_in_dim3A_521 = arith.constant 51 : i32
      %broadcast_in_dim3A_522 = vector.broadcast %broadcast_in_dim3A_521 : i32 to vector<16xi32>
      %select_n3A_523 = arith.select %gt3A_519, %broadcast_in_dim3A_522, %select_n3A_513 : vector<16xi1>, vector<16xi32>
      %get3A_524 = arith.constant 52 : i32
      %get3A_525 = arith.index_cast %get3A_524 : i32 to index
      %get3A_526 = arith.index_cast %mul3A_10 : i32 to index
      %get3A_527 = tpu.vector_load %arg4[%get3A_525, %get3A_526] {strides = array<i32>} : memref<64x1024xf32, #tpu.memory_space<vmem>>, vector<1x16xf32>,
      %get3A_528 = vector.shape_cast %get3A_527 : vector<1x16xf32> to vector<16xf32>
      %gt3A_529 = arith.cmpf ogt, %get3A_528, %select_n3A_520 : vector<16xf32>
      %select_n3A_530 = arith.select %gt3A_529, %get3A_528, %select_n3A_520 : vector<16xi1>, vector<16xf32>
      %broadcast_in_dim3A_531 = arith.constant 52 : i32
      %broadcast_in_dim3A_532 = vector.broadcast %broadcast_in_dim3A_531 : i32 to vector<16xi32>
      %select_n3A_533 = arith.select %gt3A_529, %broadcast_in_dim3A_532, %select_n3A_523 : vector<16xi1>, vector<16xi32>
      %get3A_534 = arith.constant 53 : i32
      %get3A_535 = arith.index_cast %get3A_534 : i32 to index
      %get3A_536 = arith.index_cast %mul3A_10 : i32 to index
      %get3A_537 = tpu.vector_load %arg4[%get3A_535, %get3A_536] {strides = array<i32>} : memref<64x1024xf32, #tpu.memory_space<vmem>>, vector<1x16xf32>,
      %get3A_538 = vector.shape_cast %get3A_537 : vector<1x16xf32> to vector<16xf32>
      %gt3A_539 = arith.cmpf ogt, %get3A_538, %select_n3A_530 : vector<16xf32>
      %select_n3A_540 = arith.select %gt3A_539, %get3A_538, %select_n3A_530 : vector<16xi1>, vector<16xf32>
      %broadcast_in_dim3A_541 = arith.constant 53 : i32
      %broadcast_in_dim3A_542 = vector.broadcast %broadcast_in_dim3A_541 : i32 to vector<16xi32>
      %select_n3A_543 = arith.select %gt3A_539, %broadcast_in_dim3A_542, %select_n3A_533 : vector<16xi1>, vector<16xi32>
      %get3A_544 = arith.constant 54 : i32
      %get3A_545 = arith.index_cast %get3A_544 : i32 to index
      %get3A_546 = arith.index_cast %mul3A_10 : i32 to index
      %get3A_547 = tpu.vector_load %arg4[%get3A_545, %get3A_546] {strides = array<i32>} : memref<64x1024xf32, #tpu.memory_space<vmem>>, vector<1x16xf32>,
      %get3A_548 = vector.shape_cast %get3A_547 : vector<1x16xf32> to vector<16xf32>
      %gt3A_549 = arith.cmpf ogt, %get3A_548, %select_n3A_540 : vector<16xf32>
      %select_n3A_550 = arith.select %gt3A_549, %get3A_548, %select_n3A_540 : vector<16xi1>, vector<16xf32>
      %broadcast_in_dim3A_551 = arith.constant 54 : i32
      %broadcast_in_dim3A_552 = vector.broadcast %broadcast_in_dim3A_551 : i32 to vector<16xi32>
      %select_n3A_553 = arith.select %gt3A_549, %broadcast_in_dim3A_552, %select_n3A_543 : vector<16xi1>, vector<16xi32>
      %get3A_554 = arith.constant 55 : i32
      %get3A_555 = arith.index_cast %get3A_554 : i32 to index
      %get3A_556 = arith.index_cast %mul3A_10 : i32 to index
      %get3A_557 = tpu.vector_load %arg4[%get3A_555, %get3A_556] {strides = array<i32>} : memref<64x1024xf32, #tpu.memory_space<vmem>>, vector<1x16xf32>,
      %get3A_558 = vector.shape_cast %get3A_557 : vector<1x16xf32> to vector<16xf32>
      %gt3A_559 = arith.cmpf ogt, %get3A_558, %select_n3A_550 : vector<16xf32>
      %select_n3A_560 = arith.select %gt3A_559, %get3A_558, %select_n3A_550 : vector<16xi1>, vector<16xf32>
      %broadcast_in_dim3A_561 = arith.constant 55 : i32
      %broadcast_in_dim3A_562 = vector.broadcast %broadcast_in_dim3A_561 : i32 to vector<16xi32>
      %select_n3A_563 = arith.select %gt3A_559, %broadcast_in_dim3A_562, %select_n3A_553 : vector<16xi1>, vector<16xi32>
      %get3A_564 = arith.constant 56 : i32
      %get3A_565 = arith.index_cast %get3A_564 : i32 to index
      %get3A_566 = arith.index_cast %mul3A_10 : i32 to index
      %get3A_567 = tpu.vector_load %arg4[%get3A_565, %get3A_566] {strides = array<i32>} : memref<64x1024xf32, #tpu.memory_space<vmem>>, vector<1x16xf32>,
      %get3A_568 = vector.shape_cast %get3A_567 : vector<1x16xf32> to vector<16xf32>
      %gt3A_569 = arith.cmpf ogt, %get3A_568, %select_n3A_560 : vector<16xf32>
      %select_n3A_570 = arith.select %gt3A_569, %get3A_568, %select_n3A_560 : vector<16xi1>, vector<16xf32>
      %broadcast_in_dim3A_571 = arith.constant 56 : i32
      %broadcast_in_dim3A_572 = vector.broadcast %broadcast_in_dim3A_571 : i32 to vector<16xi32>
      %select_n3A_573 = arith.select %gt3A_569, %broadcast_in_dim3A_572, %select_n3A_563 : vector<16xi1>, vector<16xi32>
      %get3A_574 = arith.constant 57 : i32
      %get3A_575 = arith.index_cast %get3A_574 : i32 to index
      %get3A_576 = arith.index_cast %mul3A_10 : i32 to index
      %get3A_577 = tpu.vector_load %arg4[%get3A_575, %get3A_576] {strides = array<i32>} : memref<64x1024xf32, #tpu.memory_space<vmem>>, vector<1x16xf32>,
      %get3A_578 = vector.shape_cast %get3A_577 : vector<1x16xf32> to vector<16xf32>
      %gt3A_579 = arith.cmpf ogt, %get3A_578, %select_n3A_570 : vector<16xf32>
      %select_n3A_580 = arith.select %gt3A_579, %get3A_578, %select_n3A_570 : vector<16xi1>, vector<16xf32>
      %broadcast_in_dim3A_581 = arith.constant 57 : i32
      %broadcast_in_dim3A_582 = vector.broadcast %broadcast_in_dim3A_581 : i32 to vector<16xi32>
      %select_n3A_583 = arith.select %gt3A_579, %broadcast_in_dim3A_582, %select_n3A_573 : vector<16xi1>, vector<16xi32>
      %get3A_584 = arith.constant 58 : i32
      %get3A_585 = arith.index_cast %get3A_584 : i32 to index
      %get3A_586 = arith.index_cast %mul3A_10 : i32 to index
      %get3A_587 = tpu.vector_load %arg4[%get3A_585, %get3A_586] {strides = array<i32>} : memref<64x1024xf32, #tpu.memory_space<vmem>>, vector<1x16xf32>,
      %get3A_588 = vector.shape_cast %get3A_587 : vector<1x16xf32> to vector<16xf32>
      %gt3A_589 = arith.cmpf ogt, %get3A_588, %select_n3A_580 : vector<16xf32>
      %select_n3A_590 = arith.select %gt3A_589, %get3A_588, %select_n3A_580 : vector<16xi1>, vector<16xf32>
      %broadcast_in_dim3A_591 = arith.constant 58 : i32
      %broadcast_in_dim3A_592 = vector.broadcast %broadcast_in_dim3A_591 : i32 to vector<16xi32>
      %select_n3A_593 = arith.select %gt3A_589, %broadcast_in_dim3A_592, %select_n3A_583 : vector<16xi1>, vector<16xi32>
      %get3A_594 = arith.constant 59 : i32
      %get3A_595 = arith.index_cast %get3A_594 : i32 to index
      %get3A_596 = arith.index_cast %mul3A_10 : i32 to index
      %get3A_597 = tpu.vector_load %arg4[%get3A_595, %get3A_596] {strides = array<i32>} : memref<64x1024xf32, #tpu.memory_space<vmem>>, vector<1x16xf32>,
      %get3A_598 = vector.shape_cast %get3A_597 : vector<1x16xf32> to vector<16xf32>
      %gt3A_599 = arith.cmpf ogt, %get3A_598, %select_n3A_590 : vector<16xf32>
      %select_n3A_600 = arith.select %gt3A_599, %get3A_598, %select_n3A_590 : vector<16xi1>, vector<16xf32>
      %broadcast_in_dim3A_601 = arith.constant 59 : i32
      %broadcast_in_dim3A_602 = vector.broadcast %broadcast_in_dim3A_601 : i32 to vector<16xi32>
      %select_n3A_603 = arith.select %gt3A_599, %broadcast_in_dim3A_602, %select_n3A_593 : vector<16xi1>, vector<16xi32>
      %get3A_604 = arith.constant 60 : i32
      %get3A_605 = arith.index_cast %get3A_604 : i32 to index
      %get3A_606 = arith.index_cast %mul3A_10 : i32 to index
      %get3A_607 = tpu.vector_load %arg4[%get3A_605, %get3A_606] {strides = array<i32>} : memref<64x1024xf32, #tpu.memory_space<vmem>>, vector<1x16xf32>,
      %get3A_608 = vector.shape_cast %get3A_607 : vector<1x16xf32> to vector<16xf32>
      %gt3A_609 = arith.cmpf ogt, %get3A_608, %select_n3A_600 : vector<16xf32>
      %select_n3A_610 = arith.select %gt3A_609, %get3A_608, %select_n3A_600 : vector<16xi1>, vector<16xf32>
      %broadcast_in_dim3A_611 = arith.constant 60 : i32
      %broadcast_in_dim3A_612 = vector.broadcast %broadcast_in_dim3A_611 : i32 to vector<16xi32>
      %select_n3A_613 = arith.select %gt3A_609, %broadcast_in_dim3A_612, %select_n3A_603 : vector<16xi1>, vector<16xi32>
      %get3A_614 = arith.constant 61 : i32
      %get3A_615 = arith.index_cast %get3A_614 : i32 to index
      %get3A_616 = arith.index_cast %mul3A_10 : i32 to index
      %get3A_617 = tpu.vector_load %arg4[%get3A_615, %get3A_616] {strides = array<i32>} : memref<64x1024xf32, #tpu.memory_space<vmem>>, vector<1x16xf32>,
      %get3A_618 = vector.shape_cast %get3A_617 : vector<1x16xf32> to vector<16xf32>
      %gt3A_619 = arith.cmpf ogt, %get3A_618, %select_n3A_610 : vector<16xf32>
      %select_n3A_620 = arith.select %gt3A_619, %get3A_618, %select_n3A_610 : vector<16xi1>, vector<16xf32>
      %broadcast_in_dim3A_621 = arith.constant 61 : i32
      %broadcast_in_dim3A_622 = vector.broadcast %broadcast_in_dim3A_621 : i32 to vector<16xi32>
      %select_n3A_623 = arith.select %gt3A_619, %broadcast_in_dim3A_622, %select_n3A_613 : vector<16xi1>, vector<16xi32>
      %get3A_624 = arith.constant 62 : i32
      %get3A_625 = arith.index_cast %get3A_624 : i32 to index
      %get3A_626 = arith.index_cast %mul3A_10 : i32 to index
      %get3A_627 = tpu.vector_load %arg4[%get3A_625, %get3A_626] {strides = array<i32>} : memref<64x1024xf32, #tpu.memory_space<vmem>>, vector<1x16xf32>,
      %get3A_628 = vector.shape_cast %get3A_627 : vector<1x16xf32> to vector<16xf32>
      %gt3A_629 = arith.cmpf ogt, %get3A_628, %select_n3A_620 : vector<16xf32>
      %select_n3A_630 = arith.select %gt3A_629, %get3A_628, %select_n3A_620 : vector<16xi1>, vector<16xf32>
      %broadcast_in_dim3A_631 = arith.constant 62 : i32
      %broadcast_in_dim3A_632 = vector.broadcast %broadcast_in_dim3A_631 : i32 to vector<16xi32>
      %select_n3A_633 = arith.select %gt3A_629, %broadcast_in_dim3A_632, %select_n3A_623 : vector<16xi1>, vector<16xi32>
      %get3A_634 = arith.constant 63 : i32
      %get3A_635 = arith.index_cast %get3A_634 : i32 to index
      %get3A_636 = arith.index_cast %mul3A_10 : i32 to index
      %get3A_637 = tpu.vector_load %arg4[%get3A_635, %get3A_636] {strides = array<i32>} : memref<64x1024xf32, #tpu.memory_space<vmem>>, vector<1x16xf32>,
      %get3A_638 = vector.shape_cast %get3A_637 : vector<1x16xf32> to vector<16xf32>
      %gt3A_639 = arith.cmpf ogt, %get3A_638, %select_n3A_630 : vector<16xf32>
      %select_n3A_640 = arith.select %gt3A_639, %get3A_638, %select_n3A_630 : vector<16xi1>, vector<16xf32>
      %broadcast_in_dim3A_641 = arith.constant 63 : i32
      %broadcast_in_dim3A_642 = vector.broadcast %broadcast_in_dim3A_641 : i32 to vector<16xi32>
      %select_n3A_643 = arith.select %gt3A_639, %broadcast_in_dim3A_642, %select_n3A_633 : vector<16xi1>, vector<16xi32>
      %swap3A = arith.index_cast %mul3A_10 : i32 to index
      %swap3A_644 = tpu.vector_load %arg5[%swap3A] {strides = array<i32>} : memref<1024xi32, #tpu.memory_space<vmem>>, vector<16xi32>,
      %swap3A_645 = vector.shape_cast %swap3A_644 : vector<16xi32> to vector<16xi32>
      %swap3A_646 = vector.shape_cast %select_n3A_643 : vector<16xi32> to vector<16xi32>
      tpu.vector_store %arg5[%swap3A], %swap3A_646 {strides = array<i32>} : memref<1024xi32, #tpu.memory_space<vmem>>, vector<16xi32>,
    }
    %scan3A_7 = arith.constant 64 : i32
    "tpu.region"() ({
      %run_scoped3A = tpu.sem_alloc : memref<!tpu.dma_semaphore, #tpu.memory_space<semaphore_mem>>
      %dma_start3A = tpu.memref_slice %arg3[%mul3A_2] : memref<32768xi32, #tpu.memory_space<hbm>> -> memref<1024xi32, #tpu.memory_space<hbm>>
      %dma_start3A_8 = tpu.memref_slice %arg3[%mul3A_2] : memref<32768xi32, #tpu.memory_space<hbm>> -> memref<1024xi32, #tpu.memory_space<hbm>>
      tpu.enqueue_dma source(%arg5 : memref<1024xi32, #tpu.memory_space<vmem>>) target(%dma_start3A_8 : memref<1024xi32, #tpu.memory_space<hbm>>) target_semaphore(%run_scoped3A : memref<!tpu.dma_semaphore, #tpu.memory_space<semaphore_mem>>)
      %dma_wait3A = tpu.memref_slice %arg3[%mul3A_2] : memref<32768xi32, #tpu.memory_space<hbm>> -> memref<1024xi32, #tpu.memory_space<hbm>>
      %dma_wait3A_9 = tpu.memref_slice %arg3[%mul3A_2] : memref<32768xi32, #tpu.memory_space<hbm>> -> memref<1024xi32, #tpu.memory_space<hbm>>
      tpu.wait_dma2 semaphore(%run_scoped3A : memref<!tpu.dma_semaphore, #tpu.memory_space<semaphore_mem>>) src(%arg5 : memref<1024xi32, #tpu.memory_space<vmem>>) dst(%dma_wait3A_9 : memref<1024xi32, #tpu.memory_space<hbm>>)
      tpu.yield
    }) : () -> ()
    return
  }
}

module attributes {stable_mosaic.version = 14 : i64} {
  func.func @_router_body(%arg0: i32, %arg1: memref<1024x2048xf32, #tpu.memory_space<vmem>>, %arg2: memref<64x2048xf32, #tpu.memory_space<vmem>>, %arg3: memref<64x1024xf32, #tpu.memory_space<vmem>>, %arg4: memref<64x2048xf32, #tpu.memory_space<vmem>>) attributes {dimension_semantics = [#tpu.dimension_semantics<arbitrary>], iteration_bounds = array<i64: 32>, scalar_prefetch = 0 : i64, scratch_operands = 1 : i64, tpu.core_type = #tpu.core_type<tc>, window_params = [{transform_indices = @transform_0, window_bounds = array<i64: 1024, 2048>}, {pipeline_mode = #tpu.pipeline_mode<synchronous>, transform_indices = @transform_1, window_bounds = array<i64: 64, 2048>}, {transform_indices = @transform_2, window_bounds = array<i64: 64, 1024>}]} {
    %eq3A = arith.constant 0 : i32
    %eq3A_0 = arith.cmpi eq, %arg0, %eq3A : i32
    %convert_element_type3A = arith.extui %eq3A_0 : i1 to i32
    %cond3A = arith.constant 0 : i32
    %cond3A_1 = arith.cmpi ne, %convert_element_type3A, %cond3A : i32
    scf.if %cond3A_1 {
      %get3A_10 = arith.constant 0 : index
      %get3A_11 = arith.constant 0 : index
      %get3A_12 = vector.load %arg2[%get3A_10, %get3A_11] : memref<64x2048xf32, #tpu.memory_space<vmem>>, vector<64x2048xf32>
      %mul3A = arith.mulf %get3A_12, %get3A_12 : vector<64x2048xf32>
      %reduce_sum3A = arith.constant dense<0.000000e+00> : vector<64xf32>
      %reduce_sum3A_13 = vector.multi_reduction <add>, %mul3A, %reduce_sum3A [1] : vector<64x2048xf32> to vector<64xf32>
      %broadcast_in_dim3A = vector.shape_cast %reduce_sum3A_13 : vector<64xf32> to vector<64x1xf32>
      %sqrt3A = math.sqrt %broadcast_in_dim3A : vector<64x1xf32>
      %jit3A = arith.constant 9.99999996E-13 : f32
      %max3A = vector.broadcast %jit3A : f32 to vector<64x1xf32>
      %max3A_14 = arith.maximumf %max3A, %sqrt3A : vector<64x1xf32>
      %div3A = vector.broadcast %max3A_14 : vector<64x1xf32> to vector<64x2048xf32>
      %div3A_15 = arith.divf %get3A_12, %div3A : vector<64x2048xf32>
      %swap3A_16 = arith.constant 0 : index
      %swap3A_17 = arith.constant 0 : index
      %swap3A_18 = vector.load %arg4[%swap3A_16, %swap3A_17] : memref<64x2048xf32, #tpu.memory_space<vmem>>, vector<64x2048xf32>
      tpu.vector_store %arg4[%swap3A_16, %swap3A_17], %div3A_15 {strides = array<i32>} : memref<64x2048xf32, #tpu.memory_space<vmem>>, vector<64x2048xf32>,
    } else {
    }
    %get3A = arith.constant 0 : index
    %get3A_2 = arith.constant 0 : index
    %get3A_3 = vector.load %arg4[%get3A, %get3A_2] : memref<64x2048xf32, #tpu.memory_space<vmem>>, vector<64x2048xf32>
    %get3A_4 = arith.constant 0 : index
    %get3A_5 = arith.constant 0 : index
    %get3A_6 = vector.load %arg1[%get3A_4, %get3A_5] : memref<1024x2048xf32, #tpu.memory_space<vmem>>, vector<1024x2048xf32>
    %dot_general3A = arith.constant dense<0.000000e+00> : vector<64x1024xf32>
    %dot_general3A_7 = tpu.matmul %get3A_3, %get3A_6, %dot_general3A {dimension_numbers = #tpu.dot_dimension_numbers<[1], [1], [0], [0], [0, 0, 1, 0], [], []>, transpose_lhs_hint = false} : vector<64x2048xf32>, vector<1024x2048xf32>, vector<64x1024xf32> -> vector<64x1024xf32>
    %swap3A = arith.constant 0 : index
    %swap3A_8 = arith.constant 0 : index
    %swap3A_9 = vector.load %arg3[%swap3A, %swap3A_8] : memref<64x1024xf32, #tpu.memory_space<vmem>>, vector<64x1024xf32>
    tpu.vector_store %arg3[%swap3A, %swap3A_8], %dot_general3A_7 {strides = array<i32>} : memref<64x1024xf32, #tpu.memory_space<vmem>>, vector<64x1024xf32>,
    return
  }
  func.func @transform_0(%arg0: i32) -> (i32, i32) {
    %c0_i32 = arith.constant 0 : i32
    %c0_i32_0 = arith.constant 0 : i32
    return %arg0, %c0_i32 : i32, i32
  }
  func.func @transform_1(%arg0: i32) -> (i32, i32) {
    %c0_i32 = arith.constant 0 : i32
    %c0_i32_0 = arith.constant 0 : i32
    %c0_i32_1 = arith.constant 0 : i32
    return %c0_i32, %c0_i32_0 : i32, i32
  }
  func.func @transform_2(%arg0: i32) -> (i32, i32) {
    %c0_i32 = arith.constant 0 : i32
    %c0_i32_0 = arith.constant 0 : i32
    return %c0_i32, %arg0 : i32, i32
  }
}

</mosaic_0001>

<sc_bundles>
// kernel: kernel.4.cloned.1.call-start
scs
__scs_entry_jumppad:
0x0: {  	(pc) =	sbr.rel $0x88, $3  }
0x1: {  	(tag) =	ssettag $0x0;
	lr =	simm.s32 $0x1  }
0x2: {  	[smem:$0x3F9F] =	sst lr;
	_ =	strace $0xD0000000  }
0x3: {  	_ = 	snop  }
0x4: {  	_ = 	snop  }
0x5: {  	_ = 	snop  }
0x6: {  	_ = 	snop  }
0x7: {  	_ = 	snop  }
__scs_overlays_trampoline_lowered:
0x8: {  	[smem:$0x3FAE] =	sst s0  }
0x9: {  	[smem:$0x3FAF] =	sst s1  }
0xa: {  	[smem:$0x3FB0] =	sst s2  }
0xb: {  	[smem:$0x3FB1] =	sst s3  }
0xc: {  	[smem:$0x3FB2] =	sst s4  }
0xd: {  	[smem:$0x3FB3] =	sst s5  }
0xe: {  	[smem:$0x3FB4] =	sst s6  }
0xf: {  	[smem:$0x3FB5] =	sst s7  }
0x10: {  	[smem:$0x3FB6] =	sst s8  }
0x11: {  	[smem:$0x3FB7] =	sst s9;
	s0 =	simm.s32 @!p0 $0x0  }
0x12: {  	s1 =	sld [smem:$0x3F9D];
	s0 =	simm.s32 @p0 $0x1  }
0x13: {  	[smem:$0x3FB8] =	sst s0;
	s0 =	simm.s32 @!p1 $0x0  }
0x14: {  	s2 =	sld [smem:$0x3F9C];
	s0 =	simm.s32 @p1 $0x1  }
0x15: {  	[smem:$0x3FB9] =	sst s0;
	s0 =	simm.s32 @!p2 $0x0  }
0x16: {  	s3 =	sld [smem:$0x3FDB];
	s0 =	simm.s32 @p2 $0x1  }
0x17: {  	s4 =	simm.s32 $0x1BF5;
	[smem:$0x3FBB] =	sst s0  }
0x18: {  	s0 =	sld [smem:$0x3F9E];
	_ =	swait.ge [sflag:s4], $0x0  }
0x19: {  	s7 =	sld [smem:$0x3F9F]  }
0x1a: {  	s8 =	sadd.s32 $0xFFFFE003, lr  }
0x1b: {  	s9 =	sadd.s32 $0xFFFFFEF7, lr;
	s5 =	simm.s32 $0xFFFFFFFF;
	p2 =	slt.u32 s8, $0xFFFFF086  }
0x1c: {  	p1 =	slt.u32 s9, $0xF7A;
	s5 =	simm.s32 @!p2 $0x0  }
0x1d: {  	s5 =	simm.s32 @p1 $0x1;
	p0 =	seq.s32 s7, s2  }
0x1e: {  	s7 =	smul.u32 @!p0 $0xF7A, s2;
	p2 =	seq.s32 @!p0 s5, $0x0  }
0x1f: {  	s9 =	smul.u32 $0xF7A, s1;
	s8 =	simm.s32 @!p0 $0x1BF5;
	p2 =	por !p2, p0  }
0x20: {  	[sflag:s8] =	ssyncset.s32 @!p0 $0xFFFFF086;
	s6 =	sadd.s32 @!p0 s3, s7;
	s7 =	simm.s32 @!p0 $0x108  }
0x21: {  	s3 =	sadd.s32 s3, s9;
	s6 =	sadd.s32 @!p0 $0x88, s6;
	s7 =	simm.s32 @p2 $0x1082  }
0x22: {  	[simem:s7], [sflag:s8] =	dma.local @!p0 [hbm:s6], $0xF7A  }
0x23: {  	s9 =	sor.u32 $0xD0000000, s2;
	s6 =	simm.s32 $0x108;
	_ =	swait.ge @!p0 [sflag:s8], $0x0  }
0x24: {  	s3 =	sadd.s32 $0x88, s3;
	s6 =	simm.s32 @!p1 $0x1082;
	[sflag:s4] =	ssyncset.s32 $0xFFFFF086  }
0x25: {  	[simem:s6], [sflag:s4] =	dma.local [hbm:s3], $0xF7A  }
0x26: {  	[smem:$0x3F9F] =	sst s1;
	(tag) =	ssettag s2;
	_ =	strace s9  }
0x27: {  	s1 =	sld [smem:$0x3FAF]  }
0x28: {  	s2 =	sld [smem:$0x3FB0]  }
0x29: {  	s4 =	sld [smem:$0x3FB2]  }
0x2a: {  	p0 =	seq.s32 s5, $0x0;
	s5 =	sld [smem:$0x3FB3]  }
0x2b: {  	s6 =	sld [smem:$0x3FB4]  }
0x2c: {  	s7 =	sld [smem:$0x3FB5]  }
0x2d: {  	s3 =	simm.s32 $0x108;
	s8 =	sld [smem:$0x3FB6]  }
0x2e: {  	s3 =	simm.s32 @!p0 $0x1082;
	s9 =	sld [smem:$0x3FB7]  }
0x2f: {  	lr =	sadd.s32 s0, s3;
	s0 =	sld [smem:$0x3FAE]  }
0x30: {  	s3 =	sld [smem:$0x3FB1]  }
0x31: {  	[smem:$0x3FBA] =	sst s10  }
0x32: {  	s10 =	sld [smem:$0x3FB8];
	_ =	sdelay $0x3  }
0x33: {  	p0 =	seq.s32 s10, $0x1;
	s10 =	sld [smem:$0x3FBA];
	_ =	sdelay $0x3  }
0x34: {  	[smem:$0x3FBA] =	sst s10  }
0x35: {  	s10 =	sld [smem:$0x3FB9];
	_ =	sdelay $0x3  }
0x36: {  	p1 =	seq.s32 s10, $0x1;
	s10 =	sld [smem:$0x3FBA];
	_ =	sdelay $0x3  }
0x37: {  	[smem:$0x3FBA] =	sst s10  }
0x38: {  	s10 =	sld [smem:$0x3FBB]  }
0x39: {  	_ = 	snop;
	(pc) =	sbr.ind lr, $3  }
0x3a: {  	_ = 	snop  }
0x3b: {  	_ = 	snop  }
0x3c: {  	p2 =	seq.s32 s10, $0x1;
	s10 =	sld [smem:$0x3FBA]  }
0x3d: {  	_ =	shalt  }
0x3e: {  	_ =	shalt  }
0x3f: {  	_ =	shalt  }
0x40: {  	_ =	shalt  }
0x41: {  	_ =	shalt  }
0x42: {  	_ =	shalt  }
0x43: {  	_ =	shalt  }
0x44: {  	_ =	shalt  }
0x45: {  	_ =	shalt  }
0x46: {  	_ =	shalt  }
0x47: {  	_ =	shalt  }
0x48: {  	_ =	shalt  }
0x49: {  	_ =	shalt  }
0x4a: {  	_ =	shalt  }
0x4b: {  	_ =	shalt  }
0x4c: {  	_ =	shalt  }
0x4d: {  	_ =	shalt  }
0x4e: {  	_ =	shalt  }
0x4f: {  	_ =	shalt  }
0x50: {  	_ =	shalt  }
0x51: {  	_ =	shalt  }
0x52: {  	_ =	shalt  }
0x53: {  	_ =	shalt  }
0x54: {  	_ =	shalt  }
0x55: {  	_ =	shalt  }
0x56: {  	_ =	shalt  }
0x57: {  	_ =	shalt  }
0x58: {  	_ =	shalt  }
0x59: {  	_ =	shalt  }
0x5a: {  	_ =	shalt  }
0x5b: {  	_ =	shalt  }
0x5c: {  	_ =	shalt  }
0x5d: {  	_ =	shalt  }
0x5e: {  	_ =	shalt  }
0x5f: {  	_ =	shalt  }
0x60: {  	_ =	shalt  }
0x61: {  	_ =	shalt  }
0x62: {  	_ =	shalt  }
0x63: {  	_ =	shalt  }
0x64: {  	_ =	shalt  }
0x65: {  	_ =	shalt  }
0x66: {  	_ =	shalt  }
0x67: {  	_ =	shalt  }
0x68: {  	_ =	shalt  }
0x69: {  	_ =	shalt  }
0x6a: {  	_ =	shalt  }
0x6b: {  	_ =	shalt  }
0x6c: {  	_ =	shalt  }
0x6d: {  	_ =	shalt  }
0x6e: {  	_ =	shalt  }
0x6f: {  	_ =	shalt  }
0x70: {  	_ =	shalt  }
0x71: {  	_ =	shalt  }
0x72: {  	_ =	shalt  }
0x73: {  	_ =	shalt  }
0x74: {  	_ =	shalt  }
0x75: {  	_ =	shalt  }
0x76: {  	_ =	shalt  }
0x77: {  	_ =	shalt  }
0x78: {  	_ =	shalt  }
0x79: {  	_ =	shalt  }
0x7a: {  	_ =	shalt  }
0x7b: {  	_ =	shalt  }
0x7c: {  	_ =	shalt  }
0x7d: {  	_ =	shalt  }
0x7e: {  	_ =	shalt  }
0x7f: {  	_ =	shalt  }
0x80: {  	_ =	shalt  }
0x81: {  	_ =	shalt  }
0x82: {  	_ =	shalt  }
0x83: {  	_ =	shalt  }
0x84: {  	_ =	shalt  }
0x85: {  	_ =	shalt  }
0x86: {  	_ =	shalt  }
0x87: {  	_ =	shalt  }
.Lfunc_end0:
.L_simem_size_0:
called_computation_lowered:
.L_overlay_start_0:
0x88: {  	s2 =	sld [smem:$0x3FD9]  }
0x89: {  	s3 =	sld [smem:$0x3FFE];
	_ =	sdelay $0x1  }
0x8a: {  	s1 =	srdreg.scid  }
0x8b: {  	s0 =	sand.u32 $0x1, s1  }
0x8c: {  	s15 =	sshll.u32 s0, $0xA;
	s2 =	sadd.s32 s3, s2  }
0x8d: {  	s2 =	sadd.s32 s2, s15  }
0x8e: {  	[smem:$0x3FC6] =	sst s2  }
0x8f: {  	_ = 	snop  }
0x90: {  	s2 =	sld [smem:$0x3FD0];
	_ =	sdelay $0x2  }
0x91: {  	s16 =	simm.s32 $0xA;
	s4 =	simm.s32 $0x10  }
0x92: {  	[smem:s4], [sflag:s16] =	dma.local [hbm:s2], $0x1  }
0x93: {  	_ =	swait.eq [sflag:s16], $0x1  }
0x94: {  	[sflag:s16] =	ssyncset.done $0x0  }
0x95: {  	s17 =	sld [smem:$0x10];
	[sflag:s16] =	ssyncadd.s32 $0xFFFFFFFF  }
0x96: {  	s18 =	sld [smem:$0x11];
	(tm) =	ssettm $0x1  }
0x97: {  	s19 =	sld [smem:$0x3FFB];
	_ =	sdelay $0x3  }
0x98: {  	_ =	strace s19  }
0x99: {  	s4 =	sld [smem:$0x3FFC];
	_ =	sdelay $0x3  }
0x9a: {  	_ =	strace s4  }
0x9b: {  	s4 =	sld [smem:$0x3FFD];
	_ =	sdelay $0x3  }
0x9c: {  	_ =	strace s4  }
0x9d: {  	_ =	strace $0x8FFFFFFF  }
0x9e: {  	s20 =	sld [smem:$0x3FDB];
	_ =	sdelay $0x1  }
0x9f: {  	s5 =	simm.s32 $_scs_section_size  }
0xa0: {  	s6 =	simm.s32 $_size__tile_overlayer_lowered;
	s7 =	simm.s32 $_tile_overlayer_lowered  }
0xa1: {  	s23 =	simm.s32 $0x1BFF;
	s22 =	sshll.u32 s7, $0x1;
	s4 =	sadd.s32 s5, s20  }
0xa2: {  	s8 =	simm.s32 $0x0;
	s21 =	sshll.u32 s6, $0x1;
	s6 =	sadd.s32 s22, s4  }
0xa3: {  	[timem:s8], [sflag:s23] =	dma.local [hbm:s6], s21  }
0xa4: {  	_ =	swait.ge [sflag:s23], s21  }
0xa5: {  	s5 =	ssub.s32 $0x0, s21;
	[sflag:s23] =	ssyncset.done $0x0  }
0xa6: {  	[sflag:s23] =	ssyncadd.s32 s5;
	_ =	sdelay $0x1  }
0xa7: {  	s24 =	simm.s32 $0x1B8B  }
0xa8: {  	_ =	swait.ge [sflag:s24], $0x1  }
0xa9: {  	[sflag:s24] =	ssyncset.done $0x0  }
0xaa: {  	s25 =	simm.s32 $0x1B8E;
	[sflag:s24] =	ssyncadd.s32 $0xFFFFFFFF  }
0xab: {  	s26 =	simm.s32 $execute0_lowered;
	[smem:$0x3FD2] =	sst s25  }
0xac: {  	s5 =	sshll.u32 s26, $0x1;
	_ =	strace $0x80000046;
	[dreg:$0x1] =	wrdreg $0xFFFFFFFF  }
0xad: {  	s28 =	simm.s32 $_size_execute0_lowered;
	s4 =	sadd.s32 s4, s5;
	[dreg:$0x0] =	wrdreg $0x0  }
0xae: {  	s5 =	sshll.u32 s28, $0x1;
	[dreg:$0x2] =	wrdreg s4  }
0xaf: {  	[dreg:$0x3] =	wrdreg s5  }
0xb0: {  	[dreg:$0x4] =	wrdreg $0xC0  }
0xb1: {  	_ =	task [dreg:s8], $0x5FFFF  }
0xb2: {  	[dreg:$0x1] =	wrdreg $0xFFFFFFFF  }
0xb3: {  	[dreg:$0x0] =	wrdreg $0x60  }
0xb4: {  	[dreg:$0x2] =	wrdreg s18  }
0xb5: {  	[dreg:$0x3] =	wrdreg s17  }
0xb6: {  	[dreg:$0x4] =	wrdreg $0x9  }
0xb7: {  	_ =	task.clear_ibuf [dreg:s8], $0x5FFFF;
	_ =	strace $0x90000046  }
0xb8: {  	s29 =	simm.s32 $0x9;
	_ =	strace $0x80000048  }
0xb9: {  	_ =	swait.ge [sflag:s29], $0x1  }
0xba: {  	[sflag:s29] =	ssyncadd.s32 $0xFFFFFFFF  }
0xbb: {  	_ =	strace $0x90000048  }
0xbc: {  	_ =	sfence  }
0xbd: {  	s30 =	sld [smem:$0x0];
	_ =	sdelay $0x2  }
0xbe: {  	s31 =	sshll.u32 s1, $0xD;
	s1 =	sshrl.u32 s1, $0x2  }
0xbf: {  	s3 =	sand.u32 $0x4000, s31;
	s1 =	sadd.s32 s1, s30  }
0xc0: {  	s0 =	sor.u32 s3, s0;
	s1 =	sshll.u32 s1, $0x11  }
0xc1: {  	s0 =	sor.u32 s1, s0  }
0xc2: {  	s0 =	sadd.s32 $0x8F2B, s0  }
0xc3: {  	[sflag:s0] =	ssyncadd.remote.s32 $0x1  }
0xc4: {  	_ =	sfence.sel $0xFFFF  }
0xc5: {  	[dreg:$0x0] =	wrdreg $0xFFFFFFFF;
	(pc) =	sbr.abs _section_cstart, $3  }
0xc6: {  	[dreg:$0x1] =	wrdreg $0xFFFFFFFF  }
0xc7: {  	_ =	task.clear_ibuf [dreg:s8], $0x2FFFF;
	_ =	strace $0x9FFFFFFF  }
0xc8: {  	(tm) =	ssettm $0x7FFFFFFF  }
0xc9: {  	_ =	shalt  }
tec
execute0_lowered:
.L_overlay_start_1:
0x0: {  	(tag) =	ssettag $0x1  }
0x1: {  	s3 =	rddreg [dreg:$0x0]  }
0x2: {  	s4 =	rddreg [dreg:$0x1];
	s2 =	srdreg.scid  }
0x3: {  	s0 =	rddreg [dreg:$0x2];
	s1 =	stileid.u32;
	s9 =	simm.s32 $0x10000  }
0x4: {  	s10 =	simm.s32 $0x0;
	s5 =	sand.u32 $0x1, s2;
	s2 =	simm.s32 $0x0  }
0x5: {  	s6 =	sshll.u32 s1, $0xB;
	s7 =	sshll.u32 s5, $0xA;
	[smem:$0x7FF] =	sst s2  }
0x6: {  	s5 =	ssub.s32 $0x2, s5;
	s6 =	sor.u32 s7, s6;
	_ =	strace $0x80000047  }
0x7: {  	s31 =	sshrl.u32 s5, $0x1;
	s7 =	simm.s32 $0x40000;
	s8 =	sshrl.u32 s6, $0x3  }
0x8: {  	s5 =	ssub.s32 s5, s31;
	s3 =	sadd.s32 s3, s6;
	s6 =	simm.s32 $0x2000  }
0x9: {  	v0 =	vimm.s32 $0x0;
	s4 =	sadd.s32 s4, s8;
	s5 =	smax.u32 s5, $0x1;
	s8 =	simm.s32 $0x1  }
.LBB2_1:
0xa: {  	[tilespmem:s2], [sflag:$0x1] =	stream.strided.gather [hbm4b:s3+s6], $0x10000, s7, s6, $0x38;
	[tilespmem:$0x10400] =	vst v63  }
0xb: {  	_ =	swait.ge [sflag:s8], $0x10000  }
0xc: {  	s11 =	sand.u32 $0x70, s2;
	s12 =	sand.u32 $0x1C00, s2;
	[sflag:s8] =	ssyncset.done $0x0  }
0xd: {  	s11 =	sor.u32 s11, s12;
	[sflag:s8] =	ssyncadd.s32 $0xFFFF0000  }
0xe: {  	v1 =	vld [tilespmem:s11+$0x80]  }
0xf: {  	v2 =	vld [tilespmem:s11+$0x0];
	_ =	sdelay $0x1  }
0x10: {  	v3 =	vld [tilespmem:s11+$0x100];
	_ =	sdelay $0x1  }
0x11: {  	v4 =	vld [tilespmem:s11+$0x180]  }
0x12: {  	vm0 =	vgt.f32 v1, v2  }
0x13: {  	v5 =	vld [tilespmem:s11+$0x200];
	v1 =	vsel vm0, v1, v2  }
0x14: {  	vm1 =	vgt.f32 v3, v1  }
0x15: {  	v2 =	vld [tilespmem:s11+$0x280];
	v1 =	vsel vm1, v3, v1  }
0x16: {  	vm2 =	vgt.f32 v4, v1  }
0x17: {  	v3 =	vld [tilespmem:s11+$0x300];
	v1 =	vsel vm2, v4, v1  }
0x18: {  	vm3 =	vgt.f32 v5, v1  }
0x19: {  	v4 =	vld [tilespmem:s11+$0x380];
	v1 =	vsel vm3, v5, v1  }
0x1a: {  	vm4 =	vgt.f32 v2, v1  }
0x1b: {  	v5 =	vld [tilespmem:s11+$0x2000];
	v1 =	vsel vm4, v2, v1  }
0x1c: {  	vm5 =	vgt.f32 v3, v1  }
0x1d: {  	v2 =	vld [tilespmem:s11+$0x2080];
	v1 =	vsel vm5, v3, v1  }
0x1e: {  	vm6 =	vgt.f32 v4, v1  }
0x1f: {  	v3 =	vld [tilespmem:s11+$0x2100];
	v1 =	vsel vm6, v4, v1  }
0x20: {  	vm7 =	vgt.f32 v5, v1  }
0x21: {  	v4 =	vld [tilespmem:s11+$0x2180];
	v1 =	vsel vm7, v5, v1  }
0x22: {  	vm8 =	vgt.f32 v2, v1  }
0x23: {  	v5 =	vld [tilespmem:s11+$0x2200];
	v1 =	vsel vm8, v2, v1  }
0x24: {  	vm9 =	vgt.f32 v3, v1  }
0x25: {  	v2 =	vld [tilespmem:s11+$0x2280];
	v1 =	vsel vm9, v3, v1  }
0x26: {  	v3 =	vimm.s32 $0x0;
	vm10 =	vgt.f32 v4, v1  }
0x27: {  	v3 =	vsel vm10, $0xFFFFFFFF, v3;
	v1 =	vsel vm10, v4, v1  }
0x28: {  	v4 =	vimm.s32 $0x0;
	[tilespmem:$0x1FEB0] =	vst v3;
	v3 =	vld [tilespmem:s11+$0x2300];
	vm10 =	vgt.f32 v5, v1  }
0x29: {  	v4 =	vsel vm10, $0xFFFFFFFF, v4;
	v1 =	vsel vm10, v5, v1  }
0x2a: {  	v5 =	vimm.s32 $0x0;
	[tilespmem:$0x1FEC0] =	vst v4;
	v4 =	vld [tilespmem:s11+$0x2380];
	vm10 =	vgt.f32 v2, v1  }
0x2b: {  	v5 =	vsel vm10, $0xFFFFFFFF, v5  }
0x2c: {  	v1 =	vsel vm10, v2, v1;
	[tilespmem:$0x1FED0] =	vst v5;
	v5 =	vld [tilespmem:s11+$0x4000]  }
0x2d: {  	v2 =	vimm.s32 $0x0;
	vm10 =	vgt.f32 v3, v1  }
0x2e: {  	v2 =	vsel vm10, $0xFFFFFFFF, v2;
	v1 =	vsel vm10, v3, v1  }
0x2f: {  	v3 =	vimm.s32 $0x0;
	[tilespmem:$0x1FEE0] =	vst v2;
	v2 =	vld [tilespmem:s11+$0x4080];
	vm10 =	vgt.f32 v4, v1  }
0x30: {  	v3 =	vsel vm10, $0xFFFFFFFF, v3;
	v1 =	vsel vm10, v4, v1  }
0x31: {  	v4 =	vimm.s32 $0x0;
	[tilespmem:$0x1FEF0] =	vst v3;
	v3 =	vld [tilespmem:s11+$0x4100];
	vm10 =	vgt.f32 v5, v1  }
0x32: {  	v4 =	vsel vm10, $0xFFFFFFFF, v4  }
0x33: {  	v1 =	vsel vm10, v5, v1;
	[tilespmem:$0x1FF00] =	vst v4;
	v4 =	vld [tilespmem:s11+$0x4180]  }
0x34: {  	v5 =	vimm.s32 $0x0;
	vm10 =	vgt.f32 v2, v1  }
0x35: {  	v5 =	vsel vm10, $0xFFFFFFFF, v5;
	v1 =	vsel vm10, v2, v1  }
0x36: {  	v2 =	vimm.s32 $0x0;
	[tilespmem:$0x1FF10] =	vst v5;
	v5 =	vld [tilespmem:s11+$0x4200];
	vm10 =	vgt.f32 v3, v1  }
0x37: {  	v2 =	vsel vm10, $0xFFFFFFFF, v2;
	v1 =	vsel vm10, v3, v1  }
0x38: {  	v3 =	vimm.s32 $0x0;
	[tilespmem:$0x1FF20] =	vst v2;
	v2 =	vld [tilespmem:s11+$0x4280];
	vm10 =	vgt.f32 v4, v1  }
0x39: {  	v3 =	vsel vm10, $0xFFFFFFFF, v3  }
0x3a: {  	v1 =	vsel vm10, v4, v1;
	[tilespmem:$0x1FF30] =	vst v3;
	v3 =	vld [tilespmem:s11+$0x4300]  }
0x3b: {  	v4 =	vimm.s32 $0x0;
	vm10 =	vgt.f32 v5, v1  }
0x3c: {  	v4 =	vsel vm10, $0xFFFFFFFF, v4;
	v1 =	vsel vm10, v5, v1  }
0x3d: {  	v5 =	vimm.s32 $0x0;
	[tilespmem:$0x1FF40] =	vst v4;
	v4 =	vld [tilespmem:s11+$0x4380];
	vm10 =	vgt.f32 v2, v1  }
0x3e: {  	v5 =	vsel vm10, $0xFFFFFFFF, v5;
	v1 =	vsel vm10, v2, v1  }
0x3f: {  	v2 =	vimm.s32 $0x0;
	[tilespmem:$0x1FF50] =	vst v5;
	v5 =	vld [tilespmem:s11+$0x6000];
	vm10 =	vgt.f32 v3, v1  }
0x40: {  	v2 =	vsel vm10, $0xFFFFFFFF, v2  }
0x41: {  	v1 =	vsel vm10, v3, v1;
	[tilespmem:$0x1FF60] =	vst v2;
	v2 =	vld [tilespmem:s11+$0x6080]  }
0x42: {  	v3 =	vimm.s32 $0x0;
	vm10 =	vgt.f32 v4, v1  }
0x43: {  	v3 =	vsel vm10, $0xFFFFFFFF, v3;
	v1 =	vsel vm10, v4, v1  }
0x44: {  	v4 =	vimm.s32 $0x0;
	[tilespmem:$0x1FF70] =	vst v3;
	v3 =	vld [tilespmem:s11+$0x6100];
	vm10 =	vgt.f32 v5, v1  }
0x45: {  	v4 =	vsel vm10, $0xFFFFFFFF, v4;
	v1 =	vsel vm10, v5, v1  }
0x46: {  	v5 =	vimm.s32 $0x0;
	[tilespmem:$0x1FF80] =	vst v4;
	v4 =	vld [tilespmem:s11+$0x6180];
	vm10 =	vgt.f32 v2, v1  }
0x47: {  	v5 =	vsel vm10, $0xFFFFFFFF, v5  }
0x48: {  	v1 =	vsel vm10, v2, v1;
	[tilespmem:$0x1FF90] =	vst v5;
	v5 =	vld [tilespmem:s11+$0x6200]  }
0x49: {  	v2 =	vimm.s32 $0x0;
	vm10 =	vgt.f32 v3, v1  }
0x4a: {  	v2 =	vsel vm10, $0xFFFFFFFF, v2;
	v1 =	vsel vm10, v3, v1  }
0x4b: {  	v3 =	vimm.s32 $0x0;
	[tilespmem:$0x1FFA0] =	vst v2;
	v2 =	vld [tilespmem:s11+$0x6280];
	vm10 =	vgt.f32 v4, v1  }
0x4c: {  	v3 =	vsel vm10, $0xFFFFFFFF, v3;
	v1 =	vsel vm10, v4, v1  }
0x4d: {  	v4 =	vimm.s32 $0x0;
	[tilespmem:$0x1FFB0] =	vst v3;
	v3 =	vld [tilespmem:s11+$0x6300];
	vm10 =	vgt.f32 v5, v1  }
0x4e: {  	v4 =	vsel vm10, $0xFFFFFFFF, v4  }
0x4f: {  	v1 =	vsel vm10, v5, v1;
	[tilespmem:$0x1FFC0] =	vst v4;
	v4 =	vld [tilespmem:s11+$0x6380]  }
0x50: {  	v5 =	vimm.s32 $0x0;
	vm10 =	vgt.f32 v2, v1  }
0x51: {  	v5 =	vsel vm10, $0xFFFFFFFF, v5;
	v1 =	vsel vm10, v2, v1  }
0x52: {  	v2 =	vimm.s32 $0x0;
	[tilespmem:$0x1FFD0] =	vst v5;
	v5 =	vld [tilespmem:s11+$0x8000];
	vm10 =	vgt.f32 v3, v1  }
0x53: {  	v2 =	vsel vm10, $0xFFFFFFFF, v2;
	v1 =	vsel vm10, v3, v1  }
0x54: {  	v3 =	vimm.s32 $0x0;
	[tilespmem:$0x1FFE0] =	vst v2;
	v2 =	vld [tilespmem:s11+$0x8080];
	vm10 =	vgt.f32 v4, v1  }
0x55: {  	v3 =	vsel vm10, $0xFFFFFFFF, v3  }
0x56: {  	v1 =	vsel vm10, v4, v1;
	[tilespmem:$0x1FFF0] =	vst v3;
	v3 =	vld [tilespmem:s11+$0x8100]  }
0x57: {  	vm14 =	vgt.f32 v5, v1  }
0x58: {  	v6 =	vld [tilespmem:s11+$0x8180];
	v1 =	vsel vm14, v5, v1  }
0x59: {  	vm13 =	vgt.f32 v2, v1  }
0x5a: {  	v5 =	vld [tilespmem:s11+$0x8200];
	v1 =	vsel vm13, v2, v1  }
0x5b: {  	vm12 =	vgt.f32 v3, v1  }
0x5c: {  	v1 =	vsel vm12, v3, v1  }
0x5d: {  	vm11 =	vgt.f32 v6, v1  }
0x5e: {  	v4 =	vsel vm0, $0x1, v0;
	v1 =	vsel vm11, v6, v1  }
0x5f: {  	v4 =	vsel vm1, $0x2, v4;
	vm10 =	vgt.f32 v5, v1  }
0x60: {  	v4 =	vsel vm2, $0x3, v4;
	v1 =	vsel vm10, v5, v1;
	v5 =	vld [tilespmem:$0x1FEB0]  }
0x61: {  	v4 =	vsel vm3, $0x4, v4  }
0x62: {  	v2 =	vsel vm4, $0x5, v4  }
0x63: {  	v2 =	vsel vm5, $0x6, v2  }
0x64: {  	v4 =	vld [tilespmem:s11+$0x8280];
	v2 =	vsel vm6, $0x7, v2  }
0x65: {  	v2 =	vsel vm7, $0x8, v2;
	vm7 =	vnez.u8 v5;
	v5 =	vld [tilespmem:$0x1FEC0]  }
0x66: {  	v3 =	vld [tilespmem:s11+$0x8300];
	_ =	sdelay $0x1  }
0x67: {  	v2 =	vsel vm8, $0x9, v2  }
0x68: {  	v2 =	vsel vm9, $0xA, v2;
	vm9 =	vgt.f32 v4, v1  }
0x69: {  	v1 =	vsel vm9, v4, v1;
	v4 =	vld [tilespmem:$0x1FED0];
	v2 =	vsel vm7, $0xB, v2;
	vm8 =	vnez.u8 v5  }
0x6a: {  	v2 =	vsel vm8, $0xC, v2;
	vm8 =	vgt.f32 v3, v1  }
0x6b: {  	v1 =	vsel vm8, v3, v1;
	v3 =	vld [tilespmem:$0x1FEF0];
	_ =	sdelay $0x2  }
0x6c: {  	vm15 =	vnez.u8 v4;
	v4 =	vld [tilespmem:$0x1FEE0]  }
0x6d: {  	v54 =	vld [tilespmem:s11+$0x8380]  }
0x6e: {  	vm5 =	vnez.u8 v3;
	v3 =	vld [tilespmem:$0x1FF00]  }
0x6f: {  	v5 =	vld [tilespmem:s11+$0xA000];
	_ =	sdelay $0x1  }
0x70: {  	v2 =	vsel vm15, $0xD, v2;
	vm4 =	vnez.u8 v4  }
0x71: {  	v2 =	vsel vm4, $0xE, v2;
	vm7 =	vgt.f32 v54, v1  }
0x72: {  	v55 =	vld [tilespmem:$0x1FF10];
	v1 =	vsel vm7, v54, v1;
	v2 =	vsel vm5, $0xF, v2;
	vm6 =	vnez.u8 v3  }
0x73: {  	v56 =	vld [tilespmem:$0x1FF20];
	v2 =	vsel vm6, $0x10, v2;
	vm6 =	vgt.f32 v5, v1  }
0x74: {  	v1 =	vsel vm6, v5, v1;
	v5 =	vld [tilespmem:$0x1FF30]  }
0x75: {  	v4 =	vld [tilespmem:s11+$0xA080];
	_ =	sdelay $0x1  }
0x76: {  	vm15 =	vnez.u8 v55  }
0x77: {  	vm4 =	vnez.u8 v56;
	v2 =	vsel vm15, $0x11, v2  }
0x78: {  	v2 =	vsel vm4, $0x12, v2;
	vm5 =	vnez.u8 v5  }
0x79: {  	v5 =	vld [tilespmem:$0x1FF40];
	v2 =	vsel vm5, $0x13, v2;
	vm5 =	vgt.f32 v4, v1  }
0x7a: {  	v1 =	vsel vm5, v4, v1;
	v4 =	vld [tilespmem:$0x1FF50]  }
0x7b: {  	v3 =	vld [tilespmem:s11+$0xA100];
	_ =	sdelay $0x2  }
0x7c: {  	vm15 =	vnez.u8 v5  }
0x7d: {  	v57 =	vld [tilespmem:s11+$0xA180];
	v2 =	vsel vm15, $0x14, v2;
	vm4 =	vnez.u8 v4  }
0x7e: {  	v4 =	vld [tilespmem:$0x1FF60];
	v2 =	vsel vm4, $0x15, v2;
	vm4 =	vgt.f32 v3, v1  }
0x7f: {  	v1 =	vsel vm4, v3, v1;
	v3 =	vld [tilespmem:$0x1FF70];
	_ =	sdelay $0x1  }
0x80: {  	v5 =	vld [tilespmem:s11+$0xA200];
	_ =	sdelay $0x1  }
0x81: {  	v58 =	vld [tilespmem:$0x1FF90];
	vm15 =	vnez.u8 v4  }
0x82: {  	vm3 =	vgt.f32 v57, v1;
	v2 =	vsel vm15, $0x16, v2;
	vm15 =	vnez.u8 v3;
	v3 =	vld [tilespmem:$0x1FF80]  }
0x83: {  	v1 =	vsel vm3, v57, v1;
	v4 =	vld [tilespmem:s11+$0xA280]  }
0x84: {  	v59 =	vld [tilespmem:$0x1FFA0];
	vm2 =	vgt.f32 v5, v1  }
0x85: {  	v1 =	vsel vm2, v5, v1;
	v5 =	vld [tilespmem:$0x1FFB0];
	_ =	sdelay $0x1  }
0x86: {  	v2 =	vsel vm15, $0x17, v2;
	vm15 =	vnez.u8 v3  }
0x87: {  	vm1 =	vgt.f32 v4, v1;
	v2 =	vsel vm15, $0x18, v2;
	vm15 =	vnez.u8 v58  }
0x88: {  	v1 =	vsel vm1, v4, v1;
	v4 =	vld [tilespmem:$0x1FFD0];
	v2 =	vsel vm15, $0x19, v2;
	vm15 =	vnez.u8 v59  }
0x89: {  	v2 =	vsel vm15, $0x1A, v2;
	vm15 =	vnez.u8 v5;
	v5 =	vld [tilespmem:$0x1FFC0]  }
0x8a: {  	v3 =	vld [tilespmem:s11+$0xA300];
	_ =	sdelay $0x3  }
0x8b: {  	v2 =	vsel vm15, $0x1B, v2;
	vm15 =	vnez.u8 v5  }
0x8c: {  	vm0 =	vgt.f32 v3, v1;
	v2 =	vsel vm15, $0x1C, v2;
	vm15 =	vnez.u8 v4;
	v4 =	vld [tilespmem:$0x1FFE0]  }
0x8d: {  	v1 =	vsel vm0, v3, v1;
	v3 =	vld [tilespmem:$0x1FFF0]  }
0x8e: {  	v60 =	vld [tilespmem:s11+$0xA380];
	_ =	sdelay $0x1  }
0x8f: {  	v5 =	vld [tilespmem:s11+$0xC000]  }
0x90: {  	v2 =	vsel vm15, $0x1D, v2;
	vm15 =	vnez.u8 v4  }
0x91: {  	v4 =	vld [tilespmem:s11+$0xC080];
	v2 =	vsel vm15, $0x1E, v2;
	vm15 =	vnez.u8 v3  }
0x92: {  	v2 =	vsel vm15, $0x1F, v2;
	vm15 =	vgt.f32 v60, v1  }
0x93: {  	v3 =	vld [tilespmem:s11+$0xC100];
	v2 =	vsel vm14, $0x20, v2;
	v1 =	vsel vm15, v60, v1  }
0x94: {  	v2 =	vsel vm13, $0x21, v2;
	vm13 =	vgt.f32 v5, v1  }
0x95: {  	v61 =	vld [tilespmem:s11+$0xC180];
	v2 =	vsel vm12, $0x22, v2;
	v1 =	vsel vm13, v5, v1  }
0x96: {  	v2 =	vsel vm11, $0x23, v2;
	vm11 =	vgt.f32 v4, v1  }
0x97: {  	v5 =	vld [tilespmem:s11+$0xC200];
	v2 =	vsel vm10, $0x24, v2;
	v1 =	vsel vm11, v4, v1  }
0x98: {  	v2 =	vsel vm9, $0x25, v2;
	vm9 =	vgt.f32 v3, v1  }
0x99: {  	v4 =	vld [tilespmem:s11+$0xC280];
	v2 =	vsel vm8, $0x26, v2;
	v1 =	vsel vm9, v3, v1  }
0x9a: {  	v2 =	vsel vm7, $0x27, v2;
	vm10 =	vgt.f32 v61, v1  }
0x9b: {  	v3 =	vld [tilespmem:s11+$0xC300];
	v2 =	vsel vm6, $0x28, v2;
	v1 =	vsel vm10, v61, v1  }
0x9c: {  	v2 =	vsel vm5, $0x29, v2;
	vm5 =	vgt.f32 v5, v1  }
0x9d: {  	v62 =	vld [tilespmem:s11+$0xC380];
	v2 =	vsel vm4, $0x2A, v2;
	v1 =	vsel vm5, v5, v1  }
0x9e: {  	v2 =	vsel vm3, $0x2B, v2;
	vm12 =	vgt.f32 v4, v1  }
0x9f: {  	v5 =	vld [tilespmem:s11+$0xE000];
	v2 =	vsel vm2, $0x2C, v2;
	v1 =	vsel vm12, v4, v1  }
0xa0: {  	v2 =	vsel vm1, $0x2D, v2;
	vm14 =	vgt.f32 v3, v1  }
0xa1: {  	v4 =	vld [tilespmem:s11+$0xE080];
	v2 =	vsel vm0, $0x2E, v2;
	v1 =	vsel vm14, v3, v1  }
0xa2: {  	v2 =	vsel vm15, $0x2F, v2;
	vm15 =	vgt.f32 v62, v1  }
0xa3: {  	v3 =	vld [tilespmem:s11+$0xE100];
	v2 =	vsel vm13, $0x30, v2;
	v1 =	vsel vm15, v62, v1  }
0xa4: {  	v2 =	vsel vm11, $0x31, v2;
	vm8 =	vgt.f32 v5, v1  }
0xa5: {  	v63 =	vld [tilespmem:s11+$0xE180];
	v2 =	vsel vm9, $0x32, v2;
	v1 =	vsel vm8, v5, v1  }
0xa6: {  	v2 =	vsel vm10, $0x33, v2;
	vm10 =	vgt.f32 v4, v1  }
0xa7: {  	v5 =	vld [tilespmem:s11+$0xE200];
	v2 =	vsel vm5, $0x34, v2;
	v1 =	vsel vm10, v4, v1  }
0xa8: {  	v2 =	vsel vm12, $0x35, v2;
	vm11 =	vgt.f32 v3, v1  }
0xa9: {  	v4 =	vld [tilespmem:s11+$0xE280];
	v2 =	vsel vm14, $0x36, v2;
	v1 =	vsel vm11, v3, v1  }
0xaa: {  	v2 =	vsel vm15, $0x37, v2;
	vm12 =	vgt.f32 v63, v1  }
0xab: {  	v3 =	vld [tilespmem:s11+$0xE300];
	v2 =	vsel vm8, $0x38, v2;
	v1 =	vsel vm12, v63, v1  }
0xac: {  	v2 =	vsel vm10, $0x39, v2;
	vm13 =	vgt.f32 v5, v1  }
0xad: {  	v2 =	vsel vm11, $0x3A, v2;
	v1 =	vsel vm13, v5, v1  }
0xae: {  	v2 =	vsel vm12, $0x3B, v2;
	vm14 =	vgt.f32 v4, v1  }
0xaf: {  	v2 =	vsel vm13, $0x3C, v2;
	v1 =	vsel vm14, v4, v1  }
0xb0: {  	s31 =	simm.s32 $0x10;
	s16 =	simm.s32 $0x20;
	s14 =	simm.s32 $0x80;
	v2 =	vsel vm14, $0x3D, v2;
	vm15 =	vgt.f32 v3, v1  }
0xb1: {  	s13 =	simm.s32 $0x10000;
	s12 =	sand.u32 $0x70, s31;
	v3 =	vsel vm15, v3, v1;
	v2 =	vsel vm15, $0x3E, v2;
	v1 =	vld [tilespmem:s11+$0xE380];
	s11 =	simm.s32 $0x10010  }
.LBB2_2:
0xb2: {  	_ =	sdelay $0x3  }
0xb3: {  	vm0 =	vgt.f32 v1, v3  }
0xb4: {  	s18 =	sand.u32 $0x1C00, s14;
	v1 =	vsel vm0, $0x3F, v2  }
0xb5: {  	s31 =	sor.u32 s12, s18;
	[tilespmem:s13+$0x0] =	vst v1  }
0xb6: {  	v1 =	vld [tilespmem:s31+$0x80]  }
0xb7: {  	v2 =	vld [tilespmem:s31+$0x0];
	_ =	sdelay $0x1  }
0xb8: {  	v3 =	vld [tilespmem:s31+$0x100];
	_ =	sdelay $0x1  }
0xb9: {  	v4 =	vld [tilespmem:s31+$0x180]  }
0xba: {  	vm15 =	vgt.f32 v1, v2  }
0xbb: {  	v5 =	vld [tilespmem:s31+$0x200];
	v1 =	vsel vm15, v1, v2  }
0xbc: {  	vm1 =	vgt.f32 v3, v1  }
0xbd: {  	v2 =	vld [tilespmem:s31+$0x280];
	v1 =	vsel vm1, v3, v1  }
0xbe: {  	vm2 =	vgt.f32 v4, v1  }
0xbf: {  	v3 =	vld [tilespmem:s31+$0x300];
	v1 =	vsel vm2, v4, v1  }
0xc0: {  	vm3 =	vgt.f32 v5, v1  }
0xc1: {  	v4 =	vld [tilespmem:s31+$0x380];
	v1 =	vsel vm3, v5, v1  }
0xc2: {  	vm4 =	vgt.f32 v2, v1  }
0xc3: {  	v5 =	vld [tilespmem:s31+$0x2000];
	v1 =	vsel vm4, v2, v1  }
0xc4: {  	vm5 =	vgt.f32 v3, v1  }
0xc5: {  	v2 =	vld [tilespmem:s31+$0x2080];
	v1 =	vsel vm5, v3, v1  }
0xc6: {  	vm6 =	vgt.f32 v4, v1  }
0xc7: {  	v3 =	vld [tilespmem:s31+$0x2100];
	v1 =	vsel vm6, v4, v1  }
0xc8: {  	vm7 =	vgt.f32 v5, v1  }
0xc9: {  	v4 =	vld [tilespmem:s31+$0x2180];
	v1 =	vsel vm7, v5, v1  }
0xca: {  	vm8 =	vgt.f32 v2, v1  }
0xcb: {  	v5 =	vld [tilespmem:s31+$0x2200];
	v1 =	vsel vm8, v2, v1  }
0xcc: {  	vm9 =	vgt.f32 v3, v1  }
0xcd: {  	v2 =	vld [tilespmem:s31+$0x2280];
	v1 =	vsel vm9, v3, v1  }
0xce: {  	v3 =	vimm.s32 $0x0;
	vm10 =	vgt.f32 v4, v1  }
0xcf: {  	v3 =	vsel vm10, $0xFFFFFFFF, v3;
	v1 =	vsel vm10, v4, v1  }
0xd0: {  	v4 =	vimm.s32 $0x0;
	[tilespmem:$0x1FD60] =	vst v3;
	v3 =	vld [tilespmem:s31+$0x2300];
	vm10 =	vgt.f32 v5, v1  }
0xd1: {  	v4 =	vsel vm10, $0xFFFFFFFF, v4;
	v1 =	vsel vm10, v5, v1  }
0xd2: {  	v5 =	vimm.s32 $0x0;
	[tilespmem:$0x1FD70] =	vst v4;
	v4 =	vld [tilespmem:s31+$0x2380];
	vm10 =	vgt.f32 v2, v1  }
0xd3: {  	v5 =	vsel vm10, $0xFFFFFFFF, v5  }
0xd4: {  	v1 =	vsel vm10, v2, v1;
	[tilespmem:$0x1FD80] =	vst v5;
	v5 =	vld [tilespmem:s31+$0x4000]  }
0xd5: {  	v2 =	vimm.s32 $0x0;
	vm10 =	vgt.f32 v3, v1  }
0xd6: {  	v2 =	vsel vm10, $0xFFFFFFFF, v2;
	v1 =	vsel vm10, v3, v1  }
0xd7: {  	v3 =	vimm.s32 $0x0;
	[tilespmem:$0x1FD90] =	vst v2;
	v2 =	vld [tilespmem:s31+$0x4080];
	vm10 =	vgt.f32 v4, v1  }
0xd8: {  	v3 =	vsel vm10, $0xFFFFFFFF, v3;
	v1 =	vsel vm10, v4, v1  }
0xd9: {  	v4 =	vimm.s32 $0x0;
	[tilespmem:$0x1FDA0] =	vst v3;
	v3 =	vld [tilespmem:s31+$0x4100];
	vm10 =	vgt.f32 v5, v1  }
0xda: {  	v4 =	vsel vm10, $0xFFFFFFFF, v4  }
0xdb: {  	v1 =	vsel vm10, v5, v1;
	[tilespmem:$0x1FDB0] =	vst v4;
	v4 =	vld [tilespmem:s31+$0x4180]  }
0xdc: {  	v5 =	vimm.s32 $0x0;
	vm10 =	vgt.f32 v2, v1  }
0xdd: {  	v5 =	vsel vm10, $0xFFFFFFFF, v5;
	v1 =	vsel vm10, v2, v1  }
0xde: {  	v2 =	vimm.s32 $0x0;
	[tilespmem:$0x1FDC0] =	vst v5;
	v5 =	vld [tilespmem:s31+$0x4200];
	vm10 =	vgt.f32 v3, v1  }
0xdf: {  	v2 =	vsel vm10, $0xFFFFFFFF, v2;
	v1 =	vsel vm10, v3, v1  }
0xe0: {  	v3 =	vimm.s32 $0x0;
	[tilespmem:$0x1FDD0] =	vst v2;
	v2 =	vld [tilespmem:s31+$0x4280];
	vm10 =	vgt.f32 v4, v1  }
0xe1: {  	v3 =	vsel vm10, $0xFFFFFFFF, v3  }
0xe2: {  	v1 =	vsel vm10, v4, v1;
	[tilespmem:$0x1FDE0] =	vst v3;
	v3 =	vld [tilespmem:s31+$0x4300]  }
0xe3: {  	v4 =	vimm.s32 $0x0;
	vm10 =	vgt.f32 v5, v1  }
0xe4: {  	v4 =	vsel vm10, $0xFFFFFFFF, v4;
	v1 =	vsel vm10, v5, v1  }
0xe5: {  	v5 =	vimm.s32 $0x0;
	[tilespmem:$0x1FDF0] =	vst v4;
	v4 =	vld [tilespmem:s31+$0x4380];
	vm10 =	vgt.f32 v2, v1  }
0xe6: {  	v5 =	vsel vm10, $0xFFFFFFFF, v5;
	v1 =	vsel vm10, v2, v1  }
0xe7: {  	v2 =	vimm.s32 $0x0;
	[tilespmem:$0x1FE00] =	vst v5;
	v5 =	vld [tilespmem:s31+$0x6000];
	vm10 =	vgt.f32 v3, v1  }
0xe8: {  	v2 =	vsel vm10, $0xFFFFFFFF, v2  }
0xe9: {  	v1 =	vsel vm10, v3, v1;
	[tilespmem:$0x1FE10] =	vst v2;
	v2 =	vld [tilespmem:s31+$0x6080]  }
0xea: {  	v3 =	vimm.s32 $0x0;
	vm10 =	vgt.f32 v4, v1  }
0xeb: {  	v3 =	vsel vm10, $0xFFFFFFFF, v3;
	v1 =	vsel vm10, v4, v1  }
0xec: {  	v4 =	vimm.s32 $0x0;
	[tilespmem:$0x1FE20] =	vst v3;
	v3 =	vld [tilespmem:s31+$0x6100];
	vm10 =	vgt.f32 v5, v1  }
0xed: {  	v4 =	vsel vm10, $0xFFFFFFFF, v4;
	v1 =	vsel vm10, v5, v1  }
0xee: {  	v5 =	vimm.s32 $0x0;
	[tilespmem:$0x1FE30] =	vst v4;
	v4 =	vld [tilespmem:s31+$0x6180];
	vm10 =	vgt.f32 v2, v1  }
0xef: {  	v5 =	vsel vm10, $0xFFFFFFFF, v5  }
0xf0: {  	v1 =	vsel vm10, v2, v1;
	[tilespmem:$0x1FE40] =	vst v5;
	v5 =	vld [tilespmem:s31+$0x6200]  }
0xf1: {  	v2 =	vimm.s32 $0x0;
	vm10 =	vgt.f32 v3, v1  }
0xf2: {  	v2 =	vsel vm10, $0xFFFFFFFF, v2;
	v1 =	vsel vm10, v3, v1  }
0xf3: {  	v3 =	vimm.s32 $0x0;
	[tilespmem:$0x1FE50] =	vst v2;
	v2 =	vld [tilespmem:s31+$0x6280];
	vm10 =	vgt.f32 v4, v1  }
0xf4: {  	v3 =	vsel vm10, $0xFFFFFFFF, v3;
	v1 =	vsel vm10, v4, v1  }
0xf5: {  	v4 =	vimm.s32 $0x0;
	[tilespmem:$0x1FE60] =	vst v3;
	v3 =	vld [tilespmem:s31+$0x6300];
	vm10 =	vgt.f32 v5, v1  }
0xf6: {  	v4 =	vsel vm10, $0xFFFFFFFF, v4  }
0xf7: {  	v1 =	vsel vm10, v5, v1;
	[tilespmem:$0x1FE70] =	vst v4;
	v4 =	vld [tilespmem:s31+$0x6380]  }
0xf8: {  	v5 =	vimm.s32 $0x0;
	vm10 =	vgt.f32 v2, v1  }
0xf9: {  	v5 =	vsel vm10, $0xFFFFFFFF, v5;
	v1 =	vsel vm10, v2, v1  }
0xfa: {  	v2 =	vimm.s32 $0x0;
	[tilespmem:$0x1FE80] =	vst v5;
	v5 =	vld [tilespmem:s31+$0x8000];
	vm10 =	vgt.f32 v3, v1  }
0xfb: {  	v2 =	vsel vm10, $0xFFFFFFFF, v2;
	v1 =	vsel vm10, v3, v1  }
0xfc: {  	v3 =	vimm.s32 $0x0;
	[tilespmem:$0x1FE90] =	vst v2;
	v2 =	vld [tilespmem:s31+$0x8080];
	vm10 =	vgt.f32 v4, v1  }
0xfd: {  	v3 =	vsel vm10, $0xFFFFFFFF, v3  }
0xfe: {  	v1 =	vsel vm10, v4, v1;
	[tilespmem:$0x1FEA0] =	vst v3;
	v3 =	vld [tilespmem:s31+$0x8100]  }
0xff: {  	vm14 =	vgt.f32 v5, v1  }
0x100: {  	v6 =	vld [tilespmem:s31+$0x8180];
	v1 =	vsel vm14, v5, v1  }
0x101: {  	vm13 =	vgt.f32 v2, v1  }
0x102: {  	v5 =	vld [tilespmem:s31+$0x8200];
	v1 =	vsel vm13, v2, v1  }
0x103: {  	v4 =	vsel vm15, $0x1, v0;
	vm12 =	vgt.f32 v3, v1  }
0x104: {  	v4 =	vsel vm1, $0x2, v4;
	v1 =	vsel vm12, v3, v1  }
0x105: {  	v4 =	vsel vm2, $0x3, v4;
	vm11 =	vgt.f32 v6, v1  }
0x106: {  	v4 =	vsel vm3, $0x4, v4;
	v1 =	vsel vm11, v6, v1  }
0x107: {  	v2 =	vsel vm4, $0x5, v4;
	v4 =	vld [tilespmem:s31+$0x8280];
	vm10 =	vgt.f32 v5, v1  }
0x108: {  	v1 =	vsel vm10, v5, v1;
	v5 =	vld [tilespmem:$0x1FD60]  }
0x109: {  	v7 =	vld [tilespmem:$0x1FD70];
	v2 =	vsel vm5, $0x6, v2  }
0x10a: {  	v2 =	vsel vm6, $0x7, v2;
	v3 =	vld [tilespmem:s31+$0x8300]  }
0x10b: {  	v2 =	vsel vm7, $0x8, v2  }
0x10c: {  	v2 =	vsel vm8, $0x9, v2  }
0x10d: {  	v47 =	vld [tilespmem:s31+$0x8380];
	v2 =	vsel vm9, $0xA, v2;
	vm9 =	vgt.f32 v4, v1;
	vm7 =	vnez.u8 v5  }
0x10e: {  	vm8 =	vnez.u8 v7;
	v1 =	vsel vm9, v4, v1;
	v4 =	vld [tilespmem:$0x1FD80];
	v2 =	vsel vm7, $0xB, v2  }
0x10f: {  	v48 =	vld [tilespmem:$0x1FD90];
	v2 =	vsel vm8, $0xC, v2;
	vm8 =	vgt.f32 v3, v1  }
0x110: {  	v1 =	vsel vm8, v3, v1;
	v3 =	vld [tilespmem:$0x1FDA0]  }
0x111: {  	v49 =	vld [tilespmem:$0x1FDB0]  }
0x112: {  	v5 =	vld [tilespmem:s31+$0xA000]  }
0x113: {  	vm15 =	vnez.u8 v4  }
0x114: {  	vm4 =	vnez.u8 v48;
	v2 =	vsel vm15, $0xD, v2  }
0x115: {  	v2 =	vsel vm4, $0xE, v2;
	vm7 =	vgt.f32 v47, v1;
	vm5 =	vnez.u8 v3  }
0x116: {  	v50 =	vld [tilespmem:$0x1FDC0];
	vm6 =	vnez.u8 v49;
	v1 =	vsel vm7, v47, v1;
	v2 =	vsel vm5, $0xF, v2  }
0x117: {  	v52 =	vld [tilespmem:$0x1FDD0];
	v2 =	vsel vm6, $0x10, v2;
	vm6 =	vgt.f32 v5, v1  }
0x118: {  	v1 =	vsel vm6, v5, v1;
	v5 =	vld [tilespmem:$0x1FDE0]  }
0x119: {  	v4 =	vld [tilespmem:s31+$0xA080];
	_ =	sdelay $0x1  }
0x11a: {  	vm15 =	vnez.u8 v50  }
0x11b: {  	vm4 =	vnez.u8 v52;
	v2 =	vsel vm15, $0x11, v2  }
0x11c: {  	v2 =	vsel vm4, $0x12, v2;
	vm5 =	vnez.u8 v5  }
0x11d: {  	v53 =	vld [tilespmem:$0x1FDF0];
	v2 =	vsel vm5, $0x13, v2;
	vm5 =	vgt.f32 v4, v1  }
0x11e: {  	v1 =	vsel vm5, v4, v1;
	v4 =	vld [tilespmem:$0x1FE00]  }
0x11f: {  	v3 =	vld [tilespmem:s31+$0xA100];
	_ =	sdelay $0x2  }
0x120: {  	vm15 =	vnez.u8 v53  }
0x121: {  	v51 =	vld [tilespmem:s31+$0xA180];
	v2 =	vsel vm15, $0x14, v2;
	vm4 =	vnez.u8 v4  }
0x122: {  	v54 =	vld [tilespmem:$0x1FE10];
	v2 =	vsel vm4, $0x15, v2;
	vm4 =	vgt.f32 v3, v1  }
0x123: {  	v1 =	vsel vm4, v3, v1;
	v3 =	vld [tilespmem:$0x1FE20]  }
0x124: {  	v5 =	vld [tilespmem:s31+$0xA200]  }
0x125: {  	v55 =	vld [tilespmem:$0x1FE30]  }
0x126: {  	v4 =	vld [tilespmem:s31+$0xA280]  }
0x127: {  	v56 =	vld [tilespmem:$0x1FE40];
	vm15 =	vnez.u8 v54;
	vm3 =	vgt.f32 v51, v1  }
0x128: {  	v2 =	vsel vm15, $0x16, v2;
	v1 =	vsel vm3, v51, v1;
	vm15 =	vnez.u8 v3;
	v3 =	vld [tilespmem:s31+$0xA300]  }
0x129: {  	v58 =	vld [tilespmem:$0x1FE50];
	vm2 =	vgt.f32 v5, v1  }
0x12a: {  	v1 =	vsel vm2, v5, v1;
	v5 =	vld [tilespmem:$0x1FE60]  }
0x12b: {  	v59 =	vld [tilespmem:$0x1FE70];
	vm1 =	vgt.f32 v4, v1  }
0x12c: {  	v2 =	vsel vm15, $0x17, v2;
	vm15 =	vnez.u8 v55;
	v1 =	vsel vm1, v4, v1;
	v4 =	vld [tilespmem:$0x1FE80]  }
0x12d: {  	v60 =	vld [tilespmem:$0x1FE90];
	v2 =	vsel vm15, $0x18, v2;
	vm15 =	vnez.u8 v56;
	vm0 =	vgt.f32 v3, v1  }
0x12e: {  	v2 =	vsel vm15, $0x19, v2;
	vm15 =	vnez.u8 v58;
	v1 =	vsel vm0, v3, v1;
	v3 =	vld [tilespmem:$0x1FEA0]  }
0x12f: {  	v57 =	vld [tilespmem:s31+$0xA380];
	v2 =	vsel vm15, $0x1A, v2;
	vm15 =	vnez.u8 v5  }
0x130: {  	v2 =	vsel vm15, $0x1B, v2;
	vm15 =	vnez.u8 v59  }
0x131: {  	v5 =	vld [tilespmem:s31+$0xC000];
	v2 =	vsel vm15, $0x1C, v2;
	vm15 =	vnez.u8 v4  }
0x132: {  	v2 =	vsel vm15, $0x1D, v2;
	vm15 =	vnez.u8 v60  }
0x133: {  	v4 =	vld [tilespmem:s31+$0xC080];
	v2 =	vsel vm15, $0x1E, v2;
	vm15 =	vnez.u8 v3  }
0x134: {  	v2 =	vsel vm15, $0x1F, v2;
	vm15 =	vgt.f32 v57, v1  }
0x135: {  	v3 =	vld [tilespmem:s31+$0xC100];
	v2 =	vsel vm14, $0x20, v2;
	v1 =	vsel vm15, v57, v1  }
0x136: {  	v2 =	vsel vm13, $0x21, v2;
	vm13 =	vgt.f32 v5, v1  }
0x137: {  	v61 =	vld [tilespmem:s31+$0xC180];
	v2 =	vsel vm12, $0x22, v2;
	v1 =	vsel vm13, v5, v1  }
0x138: {  	v2 =	vsel vm11, $0x23, v2;
	vm11 =	vgt.f32 v4, v1  }
0x139: {  	v5 =	vld [tilespmem:s31+$0xC200];
	v2 =	vsel vm10, $0x24, v2;
	v1 =	vsel vm11, v4, v1  }
0x13a: {  	v2 =	vsel vm9, $0x25, v2;
	vm9 =	vgt.f32 v3, v1  }
0x13b: {  	v4 =	vld [tilespmem:s31+$0xC280];
	v2 =	vsel vm8, $0x26, v2;
	v1 =	vsel vm9, v3, v1  }
0x13c: {  	v2 =	vsel vm7, $0x27, v2;
	vm10 =	vgt.f32 v61, v1  }
0x13d: {  	v3 =	vld [tilespmem:s31+$0xC300];
	v2 =	vsel vm6, $0x28, v2;
	v1 =	vsel vm10, v61, v1  }
0x13e: {  	v2 =	vsel vm5, $0x29, v2;
	vm5 =	vgt.f32 v5, v1  }
0x13f: {  	v62 =	vld [tilespmem:s31+$0xC380];
	v2 =	vsel vm4, $0x2A, v2;
	v1 =	vsel vm5, v5, v1  }
0x140: {  	v2 =	vsel vm3, $0x2B, v2;
	vm12 =	vgt.f32 v4, v1  }
0x141: {  	v5 =	vld [tilespmem:s31+$0xE000];
	v2 =	vsel vm2, $0x2C, v2;
	v1 =	vsel vm12, v4, v1  }
0x142: {  	v2 =	vsel vm1, $0x2D, v2;
	vm14 =	vgt.f32 v3, v1  }
0x143: {  	v4 =	vld [tilespmem:s31+$0xE080];
	v2 =	vsel vm0, $0x2E, v2;
	v1 =	vsel vm14, v3, v1  }
0x144: {  	v2 =	vsel vm15, $0x2F, v2;
	vm15 =	vgt.f32 v62, v1  }
0x145: {  	v3 =	vld [tilespmem:s31+$0xE100];
	v2 =	vsel vm13, $0x30, v2;
	v1 =	vsel vm15, v62, v1  }
0x146: {  	v2 =	vsel vm11, $0x31, v2;
	vm8 =	vgt.f32 v5, v1  }
0x147: {  	v63 =	vld [tilespmem:s31+$0xE180];
	v2 =	vsel vm9, $0x32, v2;
	v1 =	vsel vm8, v5, v1  }
0x148: {  	v2 =	vsel vm10, $0x33, v2;
	vm10 =	vgt.f32 v4, v1  }
0x149: {  	v5 =	vld [tilespmem:s31+$0xE200];
	v2 =	vsel vm5, $0x34, v2;
	v1 =	vsel vm10, v4, v1  }
0x14a: {  	v2 =	vsel vm12, $0x35, v2;
	vm11 =	vgt.f32 v3, v1  }
0x14b: {  	v4 =	vld [tilespmem:s31+$0xE280];
	v2 =	vsel vm14, $0x36, v2;
	v1 =	vsel vm11, v3, v1  }
0x14c: {  	v2 =	vsel vm15, $0x37, v2;
	vm12 =	vgt.f32 v63, v1  }
0x14d: {  	v3 =	vld [tilespmem:s31+$0xE300];
	v2 =	vsel vm8, $0x38, v2;
	v6 =	vsel vm12, v63, v1  }
0x14e: {  	p0 =	sne.s32 s16, $0x3F0;
	v2 =	vsel vm10, $0x39, v2;
	vm13 =	vgt.f32 v5, v6  }
.Ltmp0:
0x14f: {  	v2 =	vsel vm11, $0x3A, v2;
	v5 =	vsel vm13, v5, v6;
	(pc) =	sbr.rel @p0 .LBB2_2-.Ltmp0, $4  }
0x150: {  	v2 =	vsel vm12, $0x3B, v2;
	vm14 =	vgt.f32 v4, v5  }
0x151: {  	s17 =	sand.u32 $0x70, s16;
	s15 =	smov.u32 s16;
	v2 =	vsel vm13, $0x3C, v2;
	v4 =	vsel vm14, v4, v5  }
0x152: {  	s14 =	sadd.s32 $0x80, s14;
	s15 =	sadd.s32 $0x10, s16;
	s12 =	smov.u32 s17;
	v2 =	vsel vm14, $0x3D, v2;
	vm15 =	vgt.f32 v3, v4  }
0x153: {  	s16 =	smov.u32 s15;
	s13 =	smov.u32 s11;
	s11 =	sadd.s32 $0x10, s11;
	v1 =	vld [tilespmem:s31+$0xE380];
	v3 =	vsel vm15, v3, v4;
	v2 =	vsel vm15, $0x3E, v2  }
0x154: {  	_ =	sdelay $0x3  }
0x155: {  	vm0 =	vgt.f32 v1, v3  }
0x156: {  	s14 =	sand.u32 $0x1C00, s14;
	v1 =	vsel vm0, $0x3F, v2  }
0x157: {  	s12 =	sor.u32 s12, s14;
	[tilespmem:s13+$0x0] =	vst v1  }
0x158: {  	v1 =	vld [tilespmem:s12+$0x80]  }
0x159: {  	v2 =	vld [tilespmem:s12+$0x0];
	_ =	sdelay $0x1  }
0x15a: {  	v3 =	vld [tilespmem:s12+$0x100];
	_ =	sdelay $0x1  }
0x15b: {  	v4 =	vld [tilespmem:s12+$0x180]  }
0x15c: {  	vm15 =	vgt.f32 v1, v2  }
0x15d: {  	v5 =	vld [tilespmem:s12+$0x200];
	v1 =	vsel vm15, v1, v2  }
0x15e: {  	vm1 =	vgt.f32 v3, v1  }
0x15f: {  	v2 =	vld [tilespmem:s12+$0x280];
	v1 =	vsel vm1, v3, v1  }
0x160: {  	vm2 =	vgt.f32 v4, v1  }
0x161: {  	v3 =	vld [tilespmem:s12+$0x300];
	v1 =	vsel vm2, v4, v1  }
0x162: {  	vm3 =	vgt.f32 v5, v1  }
0x163: {  	v57 =	vld [tilespmem:s12+$0x380];
	v1 =	vsel vm3, v5, v1  }
0x164: {  	vm4 =	vgt.f32 v2, v1  }
0x165: {  	v58 =	vld [tilespmem:s12+$0x2000];
	v1 =	vsel vm4, v2, v1  }
0x166: {  	vm5 =	vgt.f32 v3, v1  }
0x167: {  	v2 =	vld [tilespmem:s12+$0x2080];
	v1 =	vsel vm5, v3, v1  }
0x168: {  	vm6 =	vgt.f32 v57, v1  }
0x169: {  	v3 =	vld [tilespmem:s12+$0x2100];
	v1 =	vsel vm6, v57, v1  }
0x16a: {  	vm7 =	vgt.f32 v58, v1  }
0x16b: {  	v59 =	vld [tilespmem:s12+$0x2180];
	v1 =	vsel vm7, v58, v1  }
0x16c: {  	vm8 =	vgt.f32 v2, v1  }
0x16d: {  	v1 =	vsel vm8, v2, v1  }
0x16e: {  	v60 =	vld [tilespmem:s12+$0x2200];
	vm9 =	vgt.f32 v3, v1  }
0x16f: {  	v1 =	vsel vm9, v3, v1  }
0x170: {  	v2 =	vld [tilespmem:s12+$0x2280];
	v3 =	vimm.s32 $0x0;
	vm10 =	vgt.f32 v59, v1  }
0x171: {  	v3 =	vsel vm10, $0xFFFFFFFF, v3  }
0x172: {  	v1 =	vsel vm10, v59, v1;
	[tilespmem:$0x1FC00] =	vst v3;
	v3 =	vld [tilespmem:s12+$0x2300]  }
0x173: {  	vm10 =	vgt.f32 v60, v1  }
0x174: {  	v61 =	vimm.s32 $0x0;
	v62 =	vld [tilespmem:s12+$0x2380];
	v1 =	vsel vm10, v60, v1  }
0x175: {  	v4 =	vsel vm10, $0xFFFFFFFF, v61;
	vm10 =	vgt.f32 v2, v1  }
0x176: {  	v63 =	vimm.s32 $0x0;
	v1 =	vsel vm10, v2, v1  }
0x177: {  	v8 =	vld [tilespmem:s12+$0x4000];
	v5 =	vsel vm10, $0xFFFFFFFF, v63;
	v2 =	vimm.s32 $0x0;
	vm10 =	vgt.f32 v3, v1  }
0x178: {  	v2 =	vsel vm10, $0xFFFFFFFF, v2;
	v1 =	vsel vm10, v3, v1  }
0x179: {  	v3 =	vimm.s32 $0x0;
	[tilespmem:$0x1FC30] =	vst v2;
	v2 =	vld [tilespmem:s12+$0x4080];
	vm10 =	vgt.f32 v62, v1  }
0x17a: {  	v3 =	vsel vm10, $0xFFFFFFFF, v3  }
0x17b: {  	v1 =	vsel vm10, v62, v1;
	[tilespmem:$0x1FC40] =	vst v3;
	v3 =	vld [tilespmem:s12+$0x4100]  }
0x17c: {  	vm10 =	vgt.f32 v8, v1  }
0x17d: {  	v9 =	vimm.s32 $0x0;
	v10 =	vld [tilespmem:s12+$0x4180];
	v1 =	vsel vm10, v8, v1  }
0x17e: {  	[tilespmem:$0x1FC10] =	vst v4;
	v4 =	vsel vm10, $0xFFFFFFFF, v9;
	vm10 =	vgt.f32 v2, v1  }
0x17f: {  	v11 =	vimm.s32 $0x0;
	v1 =	vsel vm10, v2, v1  }
0x180: {  	v12 =	vld [tilespmem:s12+$0x4200];
	[tilespmem:$0x1FC20] =	vst v5;
	v5 =	vsel vm10, $0xFFFFFFFF, v11;
	v2 =	vimm.s32 $0x0;
	vm10 =	vgt.f32 v3, v1  }
0x181: {  	v2 =	vsel vm10, $0xFFFFFFFF, v2;
	v1 =	vsel vm10, v3, v1  }
0x182: {  	v3 =	vimm.s32 $0x0;
	[tilespmem:$0x1FC70] =	vst v2;
	v2 =	vld [tilespmem:s12+$0x4280];
	vm10 =	vgt.f32 v10, v1  }
0x183: {  	v3 =	vsel vm10, $0xFFFFFFFF, v3  }
0x184: {  	v1 =	vsel vm10, v10, v1;
	[tilespmem:$0x1FC80] =	vst v3;
	v3 =	vld [tilespmem:s12+$0x4300]  }
0x185: {  	vm10 =	vgt.f32 v12, v1  }
0x186: {  	v13 =	vimm.s32 $0x0;
	v14 =	vld [tilespmem:s12+$0x4380];
	v1 =	vsel vm10, v12, v1  }
0x187: {  	[tilespmem:$0x1FC50] =	vst v4;
	v4 =	vsel vm10, $0xFFFFFFFF, v13;
	vm10 =	vgt.f32 v2, v1  }
0x188: {  	v15 =	vimm.s32 $0x0;
	v1 =	vsel vm10, v2, v1  }
0x189: {  	v16 =	vld [tilespmem:s12+$0x6000];
	[tilespmem:$0x1FC60] =	vst v5;
	v5 =	vsel vm10, $0xFFFFFFFF, v15;
	v2 =	vimm.s32 $0x0;
	vm10 =	vgt.f32 v3, v1  }
0x18a: {  	v2 =	vsel vm10, $0xFFFFFFFF, v2;
	v1 =	vsel vm10, v3, v1  }
0x18b: {  	v3 =	vimm.s32 $0x0;
	[tilespmem:$0x1FCB0] =	vst v2;
	v2 =	vld [tilespmem:s12+$0x6080];
	vm10 =	vgt.f32 v14, v1  }
0x18c: {  	v3 =	vsel vm10, $0xFFFFFFFF, v3  }
0x18d: {  	v1 =	vsel vm10, v14, v1;
	[tilespmem:$0x1FCC0] =	vst v3;
	v3 =	vld [tilespmem:s12+$0x6100]  }
0x18e: {  	vm10 =	vgt.f32 v16, v1  }
0x18f: {  	v17 =	vimm.s32 $0x0;
	v18 =	vld [tilespmem:s12+$0x6180];
	v1 =	vsel vm10, v16, v1  }
0x190: {  	[tilespmem:$0x1FC90] =	vst v4;
	v4 =	vsel vm10, $0xFFFFFFFF, v17;
	vm10 =	vgt.f32 v2, v1  }
0x191: {  	v19 =	vimm.s32 $0x0;
	v1 =	vsel vm10, v2, v1  }
0x192: {  	v20 =	vld [tilespmem:s12+$0x6200];
	[tilespmem:$0x1FCA0] =	vst v5;
	v5 =	vsel vm10, $0xFFFFFFFF, v19;
	v2 =	vimm.s32 $0x0;
	vm10 =	vgt.f32 v3, v1  }
0x193: {  	v2 =	vsel vm10, $0xFFFFFFFF, v2;
	v1 =	vsel vm10, v3, v1  }
0x194: {  	v3 =	vimm.s32 $0x0;
	[tilespmem:$0x1FCF0] =	vst v2;
	v2 =	vld [tilespmem:s12+$0x6280];
	vm10 =	vgt.f32 v18, v1  }
0x195: {  	v3 =	vsel vm10, $0xFFFFFFFF, v3  }
0x196: {  	v1 =	vsel vm10, v18, v1;
	[tilespmem:$0x1FD00] =	vst v3;
	v3 =	vld [tilespmem:s12+$0x6300]  }
0x197: {  	vm10 =	vgt.f32 v20, v1  }
0x198: {  	v21 =	vimm.s32 $0x0;
	v22 =	vld [tilespmem:s12+$0x6380];
	v1 =	vsel vm10, v20, v1  }
0x199: {  	[tilespmem:$0x1FCD0] =	vst v4;
	v4 =	vsel vm10, $0xFFFFFFFF, v21;
	vm10 =	vgt.f32 v2, v1  }
0x19a: {  	v23 =	vimm.s32 $0x0;
	v1 =	vsel vm10, v2, v1  }
0x19b: {  	v24 =	vld [tilespmem:s12+$0x8000];
	[tilespmem:$0x1FCE0] =	vst v5;
	v5 =	vsel vm10, $0xFFFFFFFF, v23;
	v2 =	vimm.s32 $0x0;
	vm10 =	vgt.f32 v3, v1  }
0x19c: {  	v2 =	vsel vm10, $0xFFFFFFFF, v2;
	v1 =	vsel vm10, v3, v1  }
0x19d: {  	v3 =	vimm.s32 $0x0;
	[tilespmem:$0x1FD30] =	vst v2;
	v2 =	vld [tilespmem:s12+$0x8080];
	vm10 =	vgt.f32 v22, v1  }
0x19e: {  	v3 =	vsel vm10, $0xFFFFFFFF, v3  }
0x19f: {  	v1 =	vsel vm10, v22, v1;
	[tilespmem:$0x1FD40] =	vst v3;
	v3 =	vld [tilespmem:s12+$0x8100]  }
0x1a0: {  	vm10 =	vgt.f32 v24, v1  }
0x1a1: {  	v6 =	vld [tilespmem:s12+$0x8180];
	v1 =	vsel vm10, v24, v1  }
0x1a2: {  	v25 =	vimm.s32 $0x0;
	vm14 =	vgt.f32 v2, v1  }
0x1a3: {  	v27 =	vld [tilespmem:s12+$0x8200];
	v26 =	vsel vm15, $0x1, v0;
	[tilespmem:$0x1FD10] =	vst v4;
	v4 =	vsel vm10, $0xFFFFFFFF, v25;
	v1 =	vsel vm14, v2, v1  }
0x1a4: {  	[tilespmem:$0x1FD50] =	vst v4;
	v4 =	vsel vm1, $0x2, v26;
	vm13 =	vgt.f32 v3, v1  }
0x1a5: {  	v28 =	vld [tilespmem:s12+$0x8280];
	v4 =	vsel vm2, $0x3, v4;
	v1 =	vsel vm13, v3, v1  }
0x1a6: {  	v2 =	vsel vm3, $0x4, v4;
	vm12 =	vgt.f32 v6, v1  }
0x1a7: {  	v2 =	vsel vm4, $0x5, v2;
	v3 =	vld [tilespmem:s12+$0x8300];
	v1 =	vsel vm12, v6, v1  }
0x1a8: {  	v2 =	vsel vm5, $0x6, v2;
	vm11 =	vgt.f32 v27, v1  }
0x1a9: {  	v2 =	vsel vm6, $0x7, v2;
	v1 =	vsel vm11, v27, v1  }
0x1aa: {  	v2 =	vsel vm7, $0x8, v2;
	vm10 =	vgt.f32 v28, v1  }
0x1ab: {  	v29 =	vld [tilespmem:s12+$0x8380];
	v2 =	vsel vm8, $0x9, v2;
	v1 =	vsel vm10, v28, v1  }
0x1ac: {  	v31 =	vld [tilespmem:s12+$0xA000];
	v2 =	vsel vm9, $0xA, v2;
	vm9 =	vgt.f32 v3, v1  }
0x1ad: {  	v1 =	vsel vm9, v3, v1;
	v3 =	vld [tilespmem:$0x1FC30]  }
0x1ae: {  	v30 =	vld [tilespmem:$0x1FC00]  }
0x1af: {  	v32 =	vld [tilespmem:$0x1FC10]  }
0x1b0: {  	v33 =	vld [tilespmem:$0x1FC20]  }
0x1b1: {  	v34 =	vld [tilespmem:s12+$0xA080]  }
0x1b2: {  	vm15 =	vnez.u8 v3;
	v3 =	vld [tilespmem:$0x1FC40]  }
0x1b3: {  	v35 =	vld [tilespmem:$0x1FC50];
	vm6 =	vnez.u8 v30  }
0x1b4: {  	v36 =	vld [tilespmem:$0x1FC60];
	vm7 =	vnez.u8 v32;
	v2 =	vsel vm6, $0xB, v2  }
0x1b5: {  	v38 =	vld [tilespmem:$0x1FC70];
	vm8 =	vnez.u8 v33;
	v2 =	vsel vm7, $0xC, v2  }
0x1b6: {  	v39 =	vld [tilespmem:$0x1FC80];
	v2 =	vsel vm8, $0xD, v2  }
0x1b7: {  	v41 =	vld [tilespmem:$0x1FC90];
	vm8 =	vgt.f32 v29, v1;
	v2 =	vsel vm15, $0xE, v2;
	vm4 =	vnez.u8 v3  }
0x1b8: {  	vm5 =	vnez.u8 v35;
	v1 =	vsel vm8, v29, v1;
	v3 =	vld [tilespmem:s12+$0xA100];
	v2 =	vsel vm4, $0xF, v2  }
0x1b9: {  	vm6 =	vnez.u8 v36;
	vm7 =	vgt.f32 v31, v1;
	v2 =	vsel vm5, $0x10, v2  }
0x1ba: {  	v1 =	vsel vm7, v31, v1;
	vm15 =	vnez.u8 v38;
	v2 =	vsel vm6, $0x11, v2  }
0x1bb: {  	vm4 =	vnez.u8 v39;
	vm6 =	vgt.f32 v34, v1;
	v2 =	vsel vm15, $0x12, v2  }
0x1bc: {  	vm5 =	vnez.u8 v41;
	v1 =	vsel vm6, v34, v1;
	v2 =	vsel vm4, $0x13, v2  }
0x1bd: {  	v2 =	vsel vm5, $0x14, v2;
	vm5 =	vgt.f32 v3, v1  }
0x1be: {  	v1 =	vsel vm5, v3, v1;
	v3 =	vld [tilespmem:$0x1FCB0];
	_ =	sdelay $0x1  }
0x1bf: {  	v42 =	vld [tilespmem:$0x1FCA0];
	_ =	sdelay $0x1  }
0x1c0: {  	v37 =	vld [tilespmem:s12+$0xA180]  }
0x1c1: {  	vm4 =	vnez.u8 v3;
	v3 =	vld [tilespmem:$0x1FCC0]  }
0x1c2: {  	v40 =	vld [tilespmem:s12+$0xA200]  }
0x1c3: {  	vm15 =	vnez.u8 v42  }
0x1c4: {  	v43 =	vld [tilespmem:s12+$0xA280];
	v2 =	vsel vm15, $0x15, v2  }
0x1c5: {  	v44 =	vld [tilespmem:$0x1FCD0];
	v2 =	vsel vm4, $0x16, v2;
	vm4 =	vgt.f32 v37, v1  }
0x1c6: {  	v1 =	vsel vm4, v37, v1;
	vm15 =	vnez.u8 v3;
	v3 =	vld [tilespmem:s12+$0xA300]  }
0x1c7: {  	v45 =	vld [tilespmem:$0x1FCE0];
	vm3 =	vgt.f32 v40, v1  }
0x1c8: {  	v47 =	vld [tilespmem:$0x1FCF0];
	v1 =	vsel vm3, v40, v1  }
0x1c9: {  	v48 =	vld [tilespmem:$0x1FD00];
	vm2 =	vgt.f32 v43, v1  }
0x1ca: {  	v50 =	vld [tilespmem:$0x1FD10];
	[tilespmem:$0x1FD20] =	vst v5;
	v1 =	vsel vm2, v43, v1  }
0x1cb: {  	v51 =	vld [tilespmem:$0x1FD20];
	v2 =	vsel vm15, $0x17, v2;
	vm15 =	vnez.u8 v44;
	vm1 =	vgt.f32 v3, v1  }
0x1cc: {  	v2 =	vsel vm15, $0x18, v2;
	vm15 =	vnez.u8 v45;
	v1 =	vsel vm1, v3, v1;
	v3 =	vld [tilespmem:$0x1FD30]  }
0x1cd: {  	v2 =	vsel vm15, $0x19, v2;
	vm15 =	vnez.u8 v47  }
0x1ce: {  	v2 =	vsel vm15, $0x1A, v2;
	vm15 =	vnez.u8 v48  }
0x1cf: {  	v2 =	vsel vm15, $0x1B, v2;
	vm15 =	vnez.u8 v50  }
0x1d0: {  	v46 =	vld [tilespmem:s12+$0xA380];
	v2 =	vsel vm15, $0x1C, v2;
	vm15 =	vnez.u8 v51  }
0x1d1: {  	v2 =	vsel vm15, $0x1D, v2;
	vm15 =	vnez.u8 v3;
	v3 =	vld [tilespmem:$0x1FD40]  }
0x1d2: {  	v53 =	vld [tilespmem:$0x1FD50]  }
0x1d3: {  	v49 =	vld [tilespmem:s12+$0xC000];
	_ =	sdelay $0x1  }
0x1d4: {  	v52 =	vld [tilespmem:s12+$0xC080]  }
0x1d5: {  	vm0 =	vgt.f32 v46, v1;
	v2 =	vsel vm15, $0x1E, v2;
	vm15 =	vnez.u8 v3  }
0x1d6: {  	v1 =	vsel vm0, v46, v1;
	v3 =	vld [tilespmem:s12+$0xC100];
	v2 =	vsel vm15, $0x1F, v2;
	vm15 =	vnez.u8 v53  }
0x1d7: {  	v2 =	vsel vm15, $0x20, v2;
	vm15 =	vgt.f32 v49, v1  }
0x1d8: {  	v54 =	vld [tilespmem:s12+$0xC180];
	v2 =	vsel vm14, $0x21, v2;
	v1 =	vsel vm15, v49, v1  }
0x1d9: {  	v2 =	vsel vm13, $0x22, v2;
	vm13 =	vgt.f32 v52, v1  }
0x1da: {  	v55 =	vld [tilespmem:s12+$0xC200];
	v2 =	vsel vm12, $0x23, v2;
	v1 =	vsel vm13, v52, v1  }
0x1db: {  	v2 =	vsel vm11, $0x24, v2;
	vm11 =	vgt.f32 v3, v1  }
0x1dc: {  	v56 =	vld [tilespmem:s12+$0xC280];
	v2 =	vsel vm10, $0x25, v2;
	v1 =	vsel vm11, v3, v1  }
0x1dd: {  	v2 =	vsel vm9, $0x26, v2;
	vm9 =	vgt.f32 v54, v1  }
0x1de: {  	v3 =	vld [tilespmem:s12+$0xC300];
	v2 =	vsel vm8, $0x27, v2;
	v1 =	vsel vm9, v54, v1  }
0x1df: {  	v2 =	vsel vm7, $0x28, v2;
	vm10 =	vgt.f32 v55, v1  }
0x1e0: {  	v57 =	vld [tilespmem:s12+$0xC380];
	v2 =	vsel vm6, $0x29, v2;
	v1 =	vsel vm10, v55, v1  }
0x1e1: {  	v2 =	vsel vm5, $0x2A, v2;
	vm5 =	vgt.f32 v56, v1  }
0x1e2: {  	v58 =	vld [tilespmem:s12+$0xE000];
	v2 =	vsel vm4, $0x2B, v2;
	v1 =	vsel vm5, v56, v1  }
0x1e3: {  	v2 =	vsel vm3, $0x2C, v2;
	vm12 =	vgt.f32 v3, v1  }
0x1e4: {  	v59 =	vld [tilespmem:s12+$0xE080];
	v2 =	vsel vm2, $0x2D, v2;
	v1 =	vsel vm12, v3, v1  }
0x1e5: {  	v2 =	vsel vm1, $0x2E, v2;
	vm14 =	vgt.f32 v57, v1  }
0x1e6: {  	v3 =	vld [tilespmem:s12+$0xE100];
	v2 =	vsel vm0, $0x2F, v2;
	v1 =	vsel vm14, v57, v1  }
0x1e7: {  	v2 =	vsel vm15, $0x30, v2;
	vm15 =	vgt.f32 v58, v1  }
0x1e8: {  	v60 =	vld [tilespmem:s12+$0xE180];
	v2 =	vsel vm13, $0x31, v2;
	v1 =	vsel vm15, v58, v1  }
0x1e9: {  	v2 =	vsel vm11, $0x32, v2;
	vm8 =	vgt.f32 v59, v1  }
0x1ea: {  	v61 =	vld [tilespmem:s12+$0xE200];
	v2 =	vsel vm9, $0x33, v2;
	v1 =	vsel vm8, v59, v1  }
0x1eb: {  	v2 =	vsel vm10, $0x34, v2;
	vm10 =	vgt.f32 v3, v1  }
0x1ec: {  	v62 =	vld [tilespmem:s12+$0xE280];
	v2 =	vsel vm5, $0x35, v2;
	v1 =	vsel vm10, v3, v1  }
0x1ed: {  	v2 =	vsel vm12, $0x36, v2;
	vm11 =	vgt.f32 v60, v1  }
0x1ee: {  	v3 =	vld [tilespmem:s12+$0xE300];
	v2 =	vsel vm14, $0x37, v2;
	v1 =	vsel vm11, v60, v1  }
0x1ef: {  	v2 =	vsel vm15, $0x38, v2;
	vm12 =	vgt.f32 v61, v1  }
0x1f0: {  	v63 =	vld [tilespmem:s12+$0xE380];
	v2 =	vsel vm8, $0x39, v2;
	v1 =	vsel vm12, v61, v1  }
0x1f1: {  	v2 =	vsel vm10, $0x3A, v2;
	vm13 =	vgt.f32 v62, v1  }
0x1f2: {  	v2 =	vsel vm11, $0x3B, v2;
	v1 =	vsel vm13, v62, v1  }
0x1f3: {  	v2 =	vsel vm12, $0x3C, v2;
	vm14 =	vgt.f32 v3, v1  }
0x1f4: {  	v2 =	vsel vm13, $0x3D, v2;
	v1 =	vsel vm14, v3, v1  }
0x1f5: {  	s10 =	sadd.s32 $0x1, s10;
	v2 =	vsel vm14, $0x3E, v2;
	vm15 =	vgt.f32 v63, v1  }
0x1f6: {  	p0 =	sne.s32 s10, s5;
	v1 =	vsel vm15, $0x3F, v2  }
.Ltmp1:
0x1f7: {  	[tilespmem:s11+$0x0] =	vst v1;
	(pc) =	sbr.rel @p0 .LBB2_1-.Ltmp1, $4  }
0x1f8: {  	[hbm4b:s4+s2] =	stream.linear.scatter [tilespmem:s9], [sflag:$0x1], $0x400, $0x38;
	[tilespmem:$0x10400] =	vst v63  }
0x1f9: {  	_ =	swait.ge [sflag:s8], $0x400  }
0x1fa: {  	[sflag:s8] =	ssyncset.done $0x0  }
0x1fb: {  	[sflag:s8] =	ssyncadd.s32 $0xFFFFFC00  }
0x1fc: {  	_ =	sfence.sel $0x180000  }
0x1fd: {  	[bflag:$0x0] =	sbarrier.arrive $0xFFFF  }
0x1fe: {  	p0 =	sne.s32 s1, $0x0;
	_ =	strace $0x90000047  }
0x1ff: {  	s0 =	sadd.s32 @!p0 $0x100000, s0;
	[bflag:$0x2] =	sbarrier.arrive $0xFFFF  }
0x200: {  	[sflag:s0] =	ssyncadd.tile.s32 @!p0 $0x1;
	_ =	shalt  }
.Lfunc_end2:
_tile_overlayer_lowered:
.L_overlay_start_2:
0x201: {  	(tag) =	ssettag $0x2  }
0x202: {  	s0 =	rddreg [dreg:$0x0];
	s2 =	stileid.u32  }
0x203: {  	s1 =	rddreg [dreg:$0x1];
	p0 =	sne.s32 s2, $0x0  }
0x204: {  	s3 =	rddreg [dreg:$0x2];
	[bflag:$0x3] =	sbarrier.arrive $0xFFFF;
	s2 =	simm.s32 @!p0 $0x1C01  }
0x205: {  	[timem:s3], [sflag:s2] =	dma.local @!p0 [hbm:s0], s1  }
0x206: {  	s0 =	simm.s32 @!p0 $0x1  }
0x207: {  	_ =	swait.ge @!p0 [sflag:s0], s1  }
0x208: {  	s1 =	ssub.s32 @!p0 $0x0, s1;
	[sflag:s0] =	ssyncset.done @!p0 $0x0  }
0x209: {  	[sflag:s0] =	ssyncadd.s32 @!p0 s1  }
0x20a: {  	[bflag:$0x3] =	sbarrier.arrive $0xFFFF  }
0x20b: {  	_ =	shalt  }

</sc_bundles>
